<compile_context>
chip_gen: v7x
topology: tpu7x:2x2x1
jax: 0.10.2.dev20260603
libtpu: 0.0.44.dev20260713+nightly
codegen_flags: <defaults>
</compile_context>

<pallas_src>
import functools

import jax
import jax.numpy as jnp
from jax import lax
from jax.experimental import pallas as pl
from jax.experimental.pallas import tpu as pltpu
from jax.experimental.pallas import tpu_sc as plsc

_VOCAB = 1000
_EMBED_DIM = 16
_NUM_WORKERS = 32
_CHUNK = 128
_B = 13
_F = 7
_N_SP = 325


@functools.lru_cache(maxsize=None)
def _make_gather(total: int):
    n_chunks = total // _CHUNK
    assert _NUM_WORKERS * _N_SP == n_chunks
    assert _N_SP % _B == 0
    mesh = plsc.VectorSubcoreMesh(core_axis_name="c", subcore_axis_name="s")

    @functools.partial(
        pl.kernel,
        mesh=mesh,
        out_type=jax.ShapeDtypeStruct((total, _EMBED_DIM), jnp.float32),
        compiler_params=pltpu.CompilerParams(use_tc_tiling_on_sc=False),
        scratch_types=[
            pltpu.VMEM((_N_SP, _CHUNK), jnp.int32),
            pltpu.VMEM((_B, _CHUNK, _EMBED_DIM), jnp.float32),
            pltpu.VMEM_SHARED((26 * _VOCAB, _EMBED_DIM), jnp.float32),
        ]
        + [pltpu.SemaphoreType.DMA] * (2 * _B),
    )
    def gather_kernel(table_hbm, idx_hbm, out_hbm, idx_v, rows_v, table_sp, *sems):
        sem_g = sems[:_B]
        sem_w = sems[_B:]
        sid = lax.axis_index("s")
        wid = sid * 2 + lax.axis_index("c")
        stage_rows = (26 * _VOCAB) // 16
        pltpu.sync_copy(
            table_hbm.at[pl.ds(sid * stage_rows, stage_rows)],
            table_sp.at[pl.ds(sid * stage_rows, stage_rows)],
        )

        count = _N_SP
        ngroups = count // _B
        start = wid * _N_SP
        pltpu.sync_copy(idx_hbm.at[pl.ds(start, _N_SP)], idx_v)

        plsc.subcore_barrier()

        def fire_gather(j, b):
            pltpu.async_copy(table_sp.at[idx_v.at[j]], rows_v.at[b], sem_g[b])

        def wait_gather(b):
            pltpu.make_async_copy(
                out_hbm.at[pl.ds(0, _CHUNK)], rows_v.at[b], sem_g[b]
            ).wait()

        def wait_write(b):
            pltpu.make_async_copy(
                rows_v.at[b], out_hbm.at[pl.ds(0, _CHUNK)], sem_w[b]
            ).wait()

        for b in range(_F):
            fire_gather(b, b)

        def body(g, carry):
            j0 = g * _B
            for b in range(_B):
                j = j0 + b
                jn = j + _F
                bn = (b + _F) % _B
                wait_gather(b)
                pltpu.async_copy(
                    rows_v.at[b],
                    out_hbm.at[pl.ds((start + j) * _CHUNK, _CHUNK)],
                    sem_w[b],
                )

                @pl.when(jn < count)
                def _():
                    @pl.when(jn - _B >= 0)
                    def _():
                        wait_write(bn)

                    fire_gather(jn, bn)

            return carry

        lax.fori_loop(0, ngroups, body, 0)
        for b in range(_B):
            wait_write(b)

    return gather_kernel


def kernel(tokens, tables):
    b, w, nf = tokens.shape
    total = b * w * nf
    flat_table = tables.reshape(nf * _VOCAB, _EMBED_DIM)
    offs = jnp.arange(nf, dtype=jnp.int32) * _VOCAB
    flat_idx = (tokens.astype(jnp.int32) + offs).reshape(total // _CHUNK, _CHUNK)
    out = _make_gather(total)(flat_table, flat_idx)
    return out.reshape(b, w, nf * _EMBED_DIM)

# --- scband reference (transcript-rebuilt; emitter-appended) ---
"""Pipeline reference for scband-market-state-embedding-16681652978420 (READ-ONLY COPY).

The authoritative reference and input builder live on the scoring server;
editing this copy changes nothing except your own understanding.
"""

import jax, jax.numpy as jnp
import numpy as np

N_FEATURES = 26
VOCAB = 1000
EMBED_DIM = 16
BATCH = 1024
WINDOW = 50

def setup_inputs(seed: int = 0) -> dict:
    key = jax.random.key(seed)
    k_tok, k_tab = jax.random.split(key)
    tokens = jax.random.randint(k_tok, (BATCH, WINDOW, N_FEATURES), 0, VOCAB, dtype=jnp.int64 if jax.config.jax_enable_x64 else jnp.int32)
    # one embedding table per feature, stacked: [n_features, vocab, embed_dim]
    tables = jax.random.normal(k_tab, (N_FEATURES, VOCAB, EMBED_DIM), dtype=jnp.float32)
    return {"tokens": tokens, "tables": tables}

def reference(tokens, tables):
    # MarketStateEmbedding.forward: per-feature embedding lookup, concat on last dim.
    # dropout=0.0 -> Identity
    embs = []
    for i in range(N_FEATURES):
        embs.append(jnp.take(tables[i], tokens[..., i], axis=0))
    combined = jnp.concatenate(embs, axis=-1)  # [batch, window, n_features*embed_dim]
    return combined

if __name__ == "__main__":
    import jax
    _d = setup_inputs()
    print(jax.jit(kernel)(*tuple(_d.values())))

</pallas_src>

<mosaic_0001>
#map = affine_map<(d0, d1) -> (0, 0)>
module attributes {stable_mosaic.version = 14 : i64} {
  func.func @gather_kernel(%arg0: i32, %arg1: i32, %arg2: memref<26000x16xf32, #tpu.memory_space<hbm>>, %arg3: memref<10400x128xi32, #tpu.memory_space<hbm>>, %arg4: memref<1331200x16xf32, #tpu.memory_space<hbm>>, %arg5: memref<325x128xi32, #tpu.memory_space<vmem>>, %arg6: memref<13x128x16xf32, #tpu.memory_space<vmem>>, %arg7: memref<26000x16xf32, #tpu.memory_space<vmem_shared>>, %arg8: memref<!tpu.dma_semaphore, #tpu.memory_space<semaphore_mem>>, %arg9: memref<!tpu.dma_semaphore, #tpu.memory_space<semaphore_mem>>, %arg10: memref<!tpu.dma_semaphore, #tpu.memory_space<semaphore_mem>>, %arg11: memref<!tpu.dma_semaphore, #tpu.memory_space<semaphore_mem>>, %arg12: memref<!tpu.dma_semaphore, #tpu.memory_space<semaphore_mem>>, %arg13: memref<!tpu.dma_semaphore, #tpu.memory_space<semaphore_mem>>, %arg14: memref<!tpu.dma_semaphore, #tpu.memory_space<semaphore_mem>>, %arg15: memref<!tpu.dma_semaphore, #tpu.memory_space<semaphore_mem>>, %arg16: memref<!tpu.dma_semaphore, #tpu.memory_space<semaphore_mem>>, %arg17: memref<!tpu.dma_semaphore, #tpu.memory_space<semaphore_mem>>, %arg18: memref<!tpu.dma_semaphore, #tpu.memory_space<semaphore_mem>>, %arg19: memref<!tpu.dma_semaphore, #tpu.memory_space<semaphore_mem>>, %arg20: memref<!tpu.dma_semaphore, #tpu.memory_space<semaphore_mem>>, %arg21: memref<!tpu.dma_semaphore, #tpu.memory_space<semaphore_mem>>, %arg22: memref<!tpu.dma_semaphore, #tpu.memory_space<semaphore_mem>>, %arg23: memref<!tpu.dma_semaphore, #tpu.memory_space<semaphore_mem>>, %arg24: memref<!tpu.dma_semaphore, #tpu.memory_space<semaphore_mem>>, %arg25: memref<!tpu.dma_semaphore, #tpu.memory_space<semaphore_mem>>, %arg26: memref<!tpu.dma_semaphore, #tpu.memory_space<semaphore_mem>>, %arg27: memref<!tpu.dma_semaphore, #tpu.memory_space<semaphore_mem>>, %arg28: memref<!tpu.dma_semaphore, #tpu.memory_space<semaphore_mem>>, %arg29: memref<!tpu.dma_semaphore, #tpu.memory_space<semaphore_mem>>, %arg30: memref<!tpu.dma_semaphore, #tpu.memory_space<semaphore_mem>>, %arg31: memref<!tpu.dma_semaphore, #tpu.memory_space<semaphore_mem>>, %arg32: memref<!tpu.dma_semaphore, #tpu.memory_space<semaphore_mem>>, %arg33: memref<!tpu.dma_semaphore, #tpu.memory_space<semaphore_mem>>) attributes {dimension_semantics = [#tpu.dimension_semantics<core_parallel>, #tpu.dimension_semantics<subcore_parallel>], iteration_bounds = array<i64: 2, 16>, scalar_prefetch = 0 : i64, scratch_operands = 29 : i64, tpu.core_type = #tpu.core_type<sc_vector_subcore>, window_params = [{transform_indices = #map}, {transform_indices = #map}, {transform_indices = #map}]} {
    %mul3A = arith.constant 2 : i32
    %mul3A_0 = arith.muli %arg1, %mul3A : i32
    %add3A = arith.addi %mul3A_0, %arg0 : i32
    %mul3A_1 = arith.constant 1625 : i32
    %mul3A_2 = arith.muli %arg1, %mul3A_1 : i32
    %mul3A_3 = arith.constant 1625 : i32
    %mul3A_4 = arith.muli %arg1, %mul3A_3 : i32
    "tpu.region"() ({
      %run_scoped3A = tpu.sem_alloc : memref<!tpu.dma_semaphore, #tpu.memory_space<semaphore_mem>>
      %dma_start3A_289 = arith.constant 0 : i32
      %dma_start3A_290 = tpu.memref_slice %arg7[%mul3A_4, %dma_start3A_289] : memref<26000x16xf32, #tpu.memory_space<vmem_shared>> -> memref<1625x16xf32, #tpu.memory_space<vmem_shared>>
      %dma_start3A_291 = arith.constant 0 : i32
      %dma_start3A_292 = tpu.memref_slice %arg2[%mul3A_2, %dma_start3A_291] : memref<26000x16xf32, #tpu.memory_space<hbm>> -> memref<1625x16xf32, #tpu.memory_space<hbm>>
      tpu.enqueue_dma source(%dma_start3A_292 : memref<1625x16xf32, #tpu.memory_space<hbm>>) target(%dma_start3A_290 : memref<1625x16xf32, #tpu.memory_space<vmem_shared>>) target_semaphore(%run_scoped3A : memref<!tpu.dma_semaphore, #tpu.memory_space<semaphore_mem>>)
      %dma_wait3A_293 = arith.constant 0 : i32
      %dma_wait3A_294 = tpu.memref_slice %arg7[%mul3A_4, %dma_wait3A_293] : memref<26000x16xf32, #tpu.memory_space<vmem_shared>> -> memref<1625x16xf32, #tpu.memory_space<vmem_shared>>
      %dma_wait3A_295 = arith.constant 0 : i32
      %dma_wait3A_296 = tpu.memref_slice %arg2[%mul3A_2, %dma_wait3A_295] : memref<26000x16xf32, #tpu.memory_space<hbm>> -> memref<1625x16xf32, #tpu.memory_space<hbm>>
      tpu.wait_dma2 semaphore(%run_scoped3A : memref<!tpu.dma_semaphore, #tpu.memory_space<semaphore_mem>>) src(%dma_wait3A_296 : memref<1625x16xf32, #tpu.memory_space<hbm>>) dst(%dma_wait3A_294 : memref<1625x16xf32, #tpu.memory_space<vmem_shared>>)
      tpu.yield
    }) : () -> ()
    %mul3A_5 = arith.constant 325 : i32
    %mul3A_6 = arith.muli %add3A, %mul3A_5 : i32
    "tpu.region"() ({
      %run_scoped3A = tpu.sem_alloc : memref<!tpu.dma_semaphore, #tpu.memory_space<semaphore_mem>>
      %dma_start3A_289 = arith.constant 0 : i32
      %dma_start3A_290 = tpu.memref_slice %arg3[%mul3A_6, %dma_start3A_289] : memref<10400x128xi32, #tpu.memory_space<hbm>> -> memref<325x128xi32, #tpu.memory_space<hbm>>
      %dma_start3A_291 = arith.constant 0 : i32
      %dma_start3A_292 = tpu.memref_slice %arg3[%mul3A_6, %dma_start3A_291] : memref<10400x128xi32, #tpu.memory_space<hbm>> -> memref<325x128xi32, #tpu.memory_space<hbm>>
      tpu.enqueue_dma source(%dma_start3A_292 : memref<325x128xi32, #tpu.memory_space<hbm>>) target(%arg5 : memref<325x128xi32, #tpu.memory_space<vmem>>) target_semaphore(%run_scoped3A : memref<!tpu.dma_semaphore, #tpu.memory_space<semaphore_mem>>)
      %dma_wait3A_293 = arith.constant 0 : i32
      %dma_wait3A_294 = tpu.memref_slice %arg3[%mul3A_6, %dma_wait3A_293] : memref<10400x128xi32, #tpu.memory_space<hbm>> -> memref<325x128xi32, #tpu.memory_space<hbm>>
      %dma_wait3A_295 = arith.constant 0 : i32
      %dma_wait3A_296 = tpu.memref_slice %arg3[%mul3A_6, %dma_wait3A_295] : memref<10400x128xi32, #tpu.memory_space<hbm>> -> memref<325x128xi32, #tpu.memory_space<hbm>>
      tpu.wait_dma2 semaphore(%run_scoped3A : memref<!tpu.dma_semaphore, #tpu.memory_space<semaphore_mem>>) src(%dma_wait3A_296 : memref<325x128xi32, #tpu.memory_space<hbm>>) dst(%arg5 : memref<325x128xi32, #tpu.memory_space<vmem>>)
      tpu.yield
    }) : () -> ()
    %barrier3A = arith.constant 0 : index
    tpu.barrier barrier_id(%barrier3A)
    %dma_start3A = arith.constant 0 : i32
    %dma_start3A_7 = arith.constant 0 : i32
    %dma_start3A_8 = arith.constant 0 : i32
    %dma_start3A_9 = arith.constant 0 : i32
    %dma_start3A_10 = tpu.memref_slice %arg6[%dma_start3A_7, %dma_start3A_8, %dma_start3A_9] : memref<13x128x16xf32, #tpu.memory_space<vmem>> -> memref<1x128x16xf32, #tpu.memory_space<vmem>>
    %dma_start3A_11 = tpu.memref_squeeze %dma_start3A_10 : memref<1x128x16xf32, #tpu.memory_space<vmem>> -> memref<128x16xf32, #tpu.memory_space<vmem>>
    %dma_start3A_12 = arith.constant 0 : i32
    %dma_start3A_13 = tpu.memref_slice %arg5[%dma_start3A, %dma_start3A_12] : memref<325x128xi32, #tpu.memory_space<vmem>> -> memref<1x128xi32, #tpu.memory_space<vmem>>
    %dma_start3A_14 = tpu.memref_squeeze %dma_start3A_13 : memref<1x128xi32, #tpu.memory_space<vmem>> -> memref<128xi32, #tpu.memory_space<vmem>>
    %dma_start3A_15 = arith.constant 0 : i32
    %dma_start3A_16 = arith.constant 0 : i32
    %dma_start3A_17 = tpu.memref_slice %arg7[%dma_start3A_15, %dma_start3A_16] : memref<26000x16xf32, #tpu.memory_space<vmem_shared>> -> memref<26000x16xf32, #tpu.memory_space<vmem_shared>>
    tpu.enqueue_indirect_dma source(%dma_start3A_17 : memref<26000x16xf32, #tpu.memory_space<vmem_shared>>) target(%dma_start3A_11 : memref<128x16xf32, #tpu.memory_space<vmem>>) offsets(%dma_start3A_14 : memref<128xi32, #tpu.memory_space<vmem>>) semaphore(%arg8 : memref<!tpu.dma_semaphore, #tpu.memory_space<semaphore_mem>>)
    %dma_start3A_18 = arith.constant 1 : i32
    %dma_start3A_19 = arith.constant 1 : i32
    %dma_start3A_20 = arith.constant 0 : i32
    %dma_start3A_21 = arith.constant 0 : i32
    %dma_start3A_22 = tpu.memref_slice %arg6[%dma_start3A_19, %dma_start3A_20, %dma_start3A_21] : memref<13x128x16xf32, #tpu.memory_space<vmem>> -> memref<1x128x16xf32, #tpu.memory_space<vmem>>
    %dma_start3A_23 = tpu.memref_squeeze %dma_start3A_22 : memref<1x128x16xf32, #tpu.memory_space<vmem>> -> memref<128x16xf32, #tpu.memory_space<vmem>>
    %dma_start3A_24 = arith.constant 0 : i32
    %dma_start3A_25 = tpu.memref_slice %arg5[%dma_start3A_18, %dma_start3A_24] : memref<325x128xi32, #tpu.memory_space<vmem>> -> memref<1x128xi32, #tpu.memory_space<vmem>>
    %dma_start3A_26 = tpu.memref_squeeze %dma_start3A_25 : memref<1x128xi32, #tpu.memory_space<vmem>> -> memref<128xi32, #tpu.memory_space<vmem>>
    %dma_start3A_27 = arith.constant 0 : i32
    %dma_start3A_28 = arith.constant 0 : i32
    %dma_start3A_29 = tpu.memref_slice %arg7[%dma_start3A_27, %dma_start3A_28] : memref<26000x16xf32, #tpu.memory_space<vmem_shared>> -> memref<26000x16xf32, #tpu.memory_space<vmem_shared>>
    tpu.enqueue_indirect_dma source(%dma_start3A_29 : memref<26000x16xf32, #tpu.memory_space<vmem_shared>>) target(%dma_start3A_23 : memref<128x16xf32, #tpu.memory_space<vmem>>) offsets(%dma_start3A_26 : memref<128xi32, #tpu.memory_space<vmem>>) semaphore(%arg9 : memref<!tpu.dma_semaphore, #tpu.memory_space<semaphore_mem>>)
    %dma_start3A_30 = arith.constant 2 : i32
    %dma_start3A_31 = arith.constant 2 : i32
    %dma_start3A_32 = arith.constant 0 : i32
    %dma_start3A_33 = arith.constant 0 : i32
    %dma_start3A_34 = tpu.memref_slice %arg6[%dma_start3A_31, %dma_start3A_32, %dma_start3A_33] : memref<13x128x16xf32, #tpu.memory_space<vmem>> -> memref<1x128x16xf32, #tpu.memory_space<vmem>>
    %dma_start3A_35 = tpu.memref_squeeze %dma_start3A_34 : memref<1x128x16xf32, #tpu.memory_space<vmem>> -> memref<128x16xf32, #tpu.memory_space<vmem>>
    %dma_start3A_36 = arith.constant 0 : i32
    %dma_start3A_37 = tpu.memref_slice %arg5[%dma_start3A_30, %dma_start3A_36] : memref<325x128xi32, #tpu.memory_space<vmem>> -> memref<1x128xi32, #tpu.memory_space<vmem>>
    %dma_start3A_38 = tpu.memref_squeeze %dma_start3A_37 : memref<1x128xi32, #tpu.memory_space<vmem>> -> memref<128xi32, #tpu.memory_space<vmem>>
    %dma_start3A_39 = arith.constant 0 : i32
    %dma_start3A_40 = arith.constant 0 : i32
    %dma_start3A_41 = tpu.memref_slice %arg7[%dma_start3A_39, %dma_start3A_40] : memref<26000x16xf32, #tpu.memory_space<vmem_shared>> -> memref<26000x16xf32, #tpu.memory_space<vmem_shared>>
    tpu.enqueue_indirect_dma source(%dma_start3A_41 : memref<26000x16xf32, #tpu.memory_space<vmem_shared>>) target(%dma_start3A_35 : memref<128x16xf32, #tpu.memory_space<vmem>>) offsets(%dma_start3A_38 : memref<128xi32, #tpu.memory_space<vmem>>) semaphore(%arg10 : memref<!tpu.dma_semaphore, #tpu.memory_space<semaphore_mem>>)
    %dma_start3A_42 = arith.constant 3 : i32
    %dma_start3A_43 = arith.constant 3 : i32
    %dma_start3A_44 = arith.constant 0 : i32
    %dma_start3A_45 = arith.constant 0 : i32
    %dma_start3A_46 = tpu.memref_slice %arg6[%dma_start3A_43, %dma_start3A_44, %dma_start3A_45] : memref<13x128x16xf32, #tpu.memory_space<vmem>> -> memref<1x128x16xf32, #tpu.memory_space<vmem>>
    %dma_start3A_47 = tpu.memref_squeeze %dma_start3A_46 : memref<1x128x16xf32, #tpu.memory_space<vmem>> -> memref<128x16xf32, #tpu.memory_space<vmem>>
    %dma_start3A_48 = arith.constant 0 : i32
    %dma_start3A_49 = tpu.memref_slice %arg5[%dma_start3A_42, %dma_start3A_48] : memref<325x128xi32, #tpu.memory_space<vmem>> -> memref<1x128xi32, #tpu.memory_space<vmem>>
    %dma_start3A_50 = tpu.memref_squeeze %dma_start3A_49 : memref<1x128xi32, #tpu.memory_space<vmem>> -> memref<128xi32, #tpu.memory_space<vmem>>
    %dma_start3A_51 = arith.constant 0 : i32
    %dma_start3A_52 = arith.constant 0 : i32
    %dma_start3A_53 = tpu.memref_slice %arg7[%dma_start3A_51, %dma_start3A_52] : memref<26000x16xf32, #tpu.memory_space<vmem_shared>> -> memref<26000x16xf32, #tpu.memory_space<vmem_shared>>
    tpu.enqueue_indirect_dma source(%dma_start3A_53 : memref<26000x16xf32, #tpu.memory_space<vmem_shared>>) target(%dma_start3A_47 : memref<128x16xf32, #tpu.memory_space<vmem>>) offsets(%dma_start3A_50 : memref<128xi32, #tpu.memory_space<vmem>>) semaphore(%arg11 : memref<!tpu.dma_semaphore, #tpu.memory_space<semaphore_mem>>)
    %dma_start3A_54 = arith.constant 4 : i32
    %dma_start3A_55 = arith.constant 4 : i32
    %dma_start3A_56 = arith.constant 0 : i32
    %dma_start3A_57 = arith.constant 0 : i32
    %dma_start3A_58 = tpu.memref_slice %arg6[%dma_start3A_55, %dma_start3A_56, %dma_start3A_57] : memref<13x128x16xf32, #tpu.memory_space<vmem>> -> memref<1x128x16xf32, #tpu.memory_space<vmem>>
    %dma_start3A_59 = tpu.memref_squeeze %dma_start3A_58 : memref<1x128x16xf32, #tpu.memory_space<vmem>> -> memref<128x16xf32, #tpu.memory_space<vmem>>
    %dma_start3A_60 = arith.constant 0 : i32
    %dma_start3A_61 = tpu.memref_slice %arg5[%dma_start3A_54, %dma_start3A_60] : memref<325x128xi32, #tpu.memory_space<vmem>> -> memref<1x128xi32, #tpu.memory_space<vmem>>
    %dma_start3A_62 = tpu.memref_squeeze %dma_start3A_61 : memref<1x128xi32, #tpu.memory_space<vmem>> -> memref<128xi32, #tpu.memory_space<vmem>>
    %dma_start3A_63 = arith.constant 0 : i32
    %dma_start3A_64 = arith.constant 0 : i32
    %dma_start3A_65 = tpu.memref_slice %arg7[%dma_start3A_63, %dma_start3A_64] : memref<26000x16xf32, #tpu.memory_space<vmem_shared>> -> memref<26000x16xf32, #tpu.memory_space<vmem_shared>>
    tpu.enqueue_indirect_dma source(%dma_start3A_65 : memref<26000x16xf32, #tpu.memory_space<vmem_shared>>) target(%dma_start3A_59 : memref<128x16xf32, #tpu.memory_space<vmem>>) offsets(%dma_start3A_62 : memref<128xi32, #tpu.memory_space<vmem>>) semaphore(%arg12 : memref<!tpu.dma_semaphore, #tpu.memory_space<semaphore_mem>>)
    %dma_start3A_66 = arith.constant 5 : i32
    %dma_start3A_67 = arith.constant 5 : i32
    %dma_start3A_68 = arith.constant 0 : i32
    %dma_start3A_69 = arith.constant 0 : i32
    %dma_start3A_70 = tpu.memref_slice %arg6[%dma_start3A_67, %dma_start3A_68, %dma_start3A_69] : memref<13x128x16xf32, #tpu.memory_space<vmem>> -> memref<1x128x16xf32, #tpu.memory_space<vmem>>
    %dma_start3A_71 = tpu.memref_squeeze %dma_start3A_70 : memref<1x128x16xf32, #tpu.memory_space<vmem>> -> memref<128x16xf32, #tpu.memory_space<vmem>>
    %dma_start3A_72 = arith.constant 0 : i32
    %dma_start3A_73 = tpu.memref_slice %arg5[%dma_start3A_66, %dma_start3A_72] : memref<325x128xi32, #tpu.memory_space<vmem>> -> memref<1x128xi32, #tpu.memory_space<vmem>>
    %dma_start3A_74 = tpu.memref_squeeze %dma_start3A_73 : memref<1x128xi32, #tpu.memory_space<vmem>> -> memref<128xi32, #tpu.memory_space<vmem>>
    %dma_start3A_75 = arith.constant 0 : i32
    %dma_start3A_76 = arith.constant 0 : i32
    %dma_start3A_77 = tpu.memref_slice %arg7[%dma_start3A_75, %dma_start3A_76] : memref<26000x16xf32, #tpu.memory_space<vmem_shared>> -> memref<26000x16xf32, #tpu.memory_space<vmem_shared>>
    tpu.enqueue_indirect_dma source(%dma_start3A_77 : memref<26000x16xf32, #tpu.memory_space<vmem_shared>>) target(%dma_start3A_71 : memref<128x16xf32, #tpu.memory_space<vmem>>) offsets(%dma_start3A_74 : memref<128xi32, #tpu.memory_space<vmem>>) semaphore(%arg13 : memref<!tpu.dma_semaphore, #tpu.memory_space<semaphore_mem>>)
    %dma_start3A_78 = arith.constant 6 : i32
    %dma_start3A_79 = arith.constant 6 : i32
    %dma_start3A_80 = arith.constant 0 : i32
    %dma_start3A_81 = arith.constant 0 : i32
    %dma_start3A_82 = tpu.memref_slice %arg6[%dma_start3A_79, %dma_start3A_80, %dma_start3A_81] : memref<13x128x16xf32, #tpu.memory_space<vmem>> -> memref<1x128x16xf32, #tpu.memory_space<vmem>>
    %dma_start3A_83 = tpu.memref_squeeze %dma_start3A_82 : memref<1x128x16xf32, #tpu.memory_space<vmem>> -> memref<128x16xf32, #tpu.memory_space<vmem>>
    %dma_start3A_84 = arith.constant 0 : i32
    %dma_start3A_85 = tpu.memref_slice %arg5[%dma_start3A_78, %dma_start3A_84] : memref<325x128xi32, #tpu.memory_space<vmem>> -> memref<1x128xi32, #tpu.memory_space<vmem>>
    %dma_start3A_86 = tpu.memref_squeeze %dma_start3A_85 : memref<1x128xi32, #tpu.memory_space<vmem>> -> memref<128xi32, #tpu.memory_space<vmem>>
    %dma_start3A_87 = arith.constant 0 : i32
    %dma_start3A_88 = arith.constant 0 : i32
    %dma_start3A_89 = tpu.memref_slice %arg7[%dma_start3A_87, %dma_start3A_88] : memref<26000x16xf32, #tpu.memory_space<vmem_shared>> -> memref<26000x16xf32, #tpu.memory_space<vmem_shared>>
    tpu.enqueue_indirect_dma source(%dma_start3A_89 : memref<26000x16xf32, #tpu.memory_space<vmem_shared>>) target(%dma_start3A_83 : memref<128x16xf32, #tpu.memory_space<vmem>>) offsets(%dma_start3A_86 : memref<128xi32, #tpu.memory_space<vmem>>) semaphore(%arg14 : memref<!tpu.dma_semaphore, #tpu.memory_space<semaphore_mem>>)
    %scan3A = arith.constant 0 : i32
    %scan3A_90 = arith.constant 0 : i32
    %scan3A_91 = arith.constant 25 : i32
    %scan3A_92 = arith.addi %scan3A_90, %scan3A_91 : i32
    %scan3A_93 = arith.constant 1 : i32
    scf.for %scan3A_289 = %scan3A_90 to %scan3A_92 step %scan3A_93  : i32 {
      %mul3A_290 = arith.constant 13 : i32
      %mul3A_291 = arith.muli %scan3A_289, %mul3A_290 : i32
      %add3A_292 = arith.constant 0 : i32
      %add3A_293 = arith.addi %mul3A_291, %add3A_292 : i32
      %add3A_294 = arith.constant 7 : i32
      %add3A_295 = arith.addi %add3A_293, %add3A_294 : i32
      %dma_wait3A_296 = arith.constant 0 : i32
      %dma_wait3A_297 = arith.constant 0 : i32
      %dma_wait3A_298 = arith.constant 0 : i32
      %dma_wait3A_299 = tpu.memref_slice %arg6[%dma_wait3A_296, %dma_wait3A_297, %dma_wait3A_298] : memref<13x128x16xf32, #tpu.memory_space<vmem>> -> memref<1x128x16xf32, #tpu.memory_space<vmem>>
      %dma_wait3A_300 = tpu.memref_squeeze %dma_wait3A_299 : memref<1x128x16xf32, #tpu.memory_space<vmem>> -> memref<128x16xf32, #tpu.memory_space<vmem>>
      %dma_wait3A_301 = arith.constant 0 : i32
      %dma_wait3A_302 = arith.constant 0 : i32
      %dma_wait3A_303 = tpu.memref_slice %arg4[%dma_wait3A_301, %dma_wait3A_302] : memref<1331200x16xf32, #tpu.memory_space<hbm>> -> memref<128x16xf32, #tpu.memory_space<hbm>>
      %dma_wait3A_304 = arith.constant 0 : i32
      %dma_wait3A_305 = arith.constant 0 : i32
      %dma_wait3A_306 = tpu.memref_slice %arg6[%dma_wait3A_296, %dma_wait3A_304, %dma_wait3A_305] : memref<13x128x16xf32, #tpu.memory_space<vmem>> -> memref<1x128x16xf32, #tpu.memory_space<vmem>>
      %dma_wait3A_307 = tpu.memref_squeeze %dma_wait3A_306 : memref<1x128x16xf32, #tpu.memory_space<vmem>> -> memref<128x16xf32, #tpu.memory_space<vmem>>
      %dma_wait3A_308 = arith.constant 0 : i32
      %dma_wait3A_309 = arith.constant 0 : i32
      %dma_wait3A_310 = tpu.memref_slice %arg4[%dma_wait3A_308, %dma_wait3A_309] : memref<1331200x16xf32, #tpu.memory_space<hbm>> -> memref<128x16xf32, #tpu.memory_space<hbm>>
      tpu.wait_dma2 semaphore(%arg8 : memref<!tpu.dma_semaphore, #tpu.memory_space<semaphore_mem>>) src(%dma_wait3A_310 : memref<128x16xf32, #tpu.memory_space<hbm>>) dst(%dma_wait3A_307 : memref<128x16xf32, #tpu.memory_space<vmem>>)
      %add3A_311 = arith.addi %mul3A_6, %add3A_293 : i32
      %mul3A_312 = arith.constant 128 : i32
      %mul3A_313 = arith.muli %add3A_311, %mul3A_312 : i32
      %dma_start3A_314 = arith.constant 0 : i32
      %dma_start3A_315 = arith.constant 0 : i32
      %dma_start3A_316 = arith.constant 0 : i32
      %dma_start3A_317 = tpu.memref_slice %arg6[%dma_start3A_314, %dma_start3A_315, %dma_start3A_316] : memref<13x128x16xf32, #tpu.memory_space<vmem>> -> memref<1x128x16xf32, #tpu.memory_space<vmem>>
      %dma_start3A_318 = tpu.memref_squeeze %dma_start3A_317 : memref<1x128x16xf32, #tpu.memory_space<vmem>> -> memref<128x16xf32, #tpu.memory_space<vmem>>
      %dma_start3A_319 = arith.constant 0 : i32
      %dma_start3A_320 = tpu.memref_slice %arg4[%mul3A_313, %dma_start3A_319] : memref<1331200x16xf32, #tpu.memory_space<hbm>> -> memref<128x16xf32, #tpu.memory_space<hbm>>
      %dma_start3A_321 = arith.constant 0 : i32
      %dma_start3A_322 = tpu.memref_slice %arg4[%mul3A_313, %dma_start3A_321] : memref<1331200x16xf32, #tpu.memory_space<hbm>> -> memref<128x16xf32, #tpu.memory_space<hbm>>
      %dma_start3A_323 = arith.constant 0 : i32
      %dma_start3A_324 = arith.constant 0 : i32
      %dma_start3A_325 = tpu.memref_slice %arg6[%dma_start3A_314, %dma_start3A_323, %dma_start3A_324] : memref<13x128x16xf32, #tpu.memory_space<vmem>> -> memref<1x128x16xf32, #tpu.memory_space<vmem>>
      %dma_start3A_326 = tpu.memref_squeeze %dma_start3A_325 : memref<1x128x16xf32, #tpu.memory_space<vmem>> -> memref<128x16xf32, #tpu.memory_space<vmem>>
      tpu.enqueue_dma source(%dma_start3A_326 : memref<128x16xf32, #tpu.memory_space<vmem>>) target(%dma_start3A_322 : memref<128x16xf32, #tpu.memory_space<hbm>>) target_semaphore(%arg21 : memref<!tpu.dma_semaphore, #tpu.memory_space<semaphore_mem>>)
      %lt3A = arith.constant 325 : i32
      %lt3A_327 = arith.cmpi slt, %add3A_295, %lt3A : i32
      %convert_element_type3A = arith.extui %lt3A_327 : i1 to i32
      %cond3A = arith.constant 0 : i32
      %cond3A_328 = arith.cmpi ne, %convert_element_type3A, %cond3A : i32
      scf.if %cond3A_328 {
        %sub3A = arith.constant 13 : i32
        %sub3A_809 = arith.subi %add3A_295, %sub3A : i32
        %ge3A = arith.constant 0 : i32
        %ge3A_810 = arith.cmpi sge, %sub3A_809, %ge3A : i32
        %convert_element_type3A_811 = arith.extui %ge3A_810 : i1 to i32
        %cond3A_812 = arith.constant 0 : i32
        %cond3A_813 = arith.cmpi ne, %convert_element_type3A_811, %cond3A_812 : i32
        scf.if %cond3A_813 {
          %dma_wait3A_825 = arith.constant 7 : i32
          %dma_wait3A_826 = arith.constant 0 : i32
          %dma_wait3A_827 = arith.constant 0 : i32
          %dma_wait3A_828 = tpu.memref_slice %arg6[%dma_wait3A_825, %dma_wait3A_826, %dma_wait3A_827] : memref<13x128x16xf32, #tpu.memory_space<vmem>> -> memref<1x128x16xf32, #tpu.memory_space<vmem>>
          %dma_wait3A_829 = tpu.memref_squeeze %dma_wait3A_828 : memref<1x128x16xf32, #tpu.memory_space<vmem>> -> memref<128x16xf32, #tpu.memory_space<vmem>>
          %dma_wait3A_830 = arith.constant 0 : i32
          %dma_wait3A_831 = arith.constant 0 : i32
          %dma_wait3A_832 = tpu.memref_slice %arg4[%dma_wait3A_830, %dma_wait3A_831] : memref<1331200x16xf32, #tpu.memory_space<hbm>> -> memref<128x16xf32, #tpu.memory_space<hbm>>
          %dma_wait3A_833 = arith.constant 0 : i32
          %dma_wait3A_834 = arith.constant 0 : i32
          %dma_wait3A_835 = tpu.memref_slice %arg4[%dma_wait3A_833, %dma_wait3A_834] : memref<1331200x16xf32, #tpu.memory_space<hbm>> -> memref<128x16xf32, #tpu.memory_space<hbm>>
          %dma_wait3A_836 = arith.constant 0 : i32
          %dma_wait3A_837 = arith.constant 0 : i32
          %dma_wait3A_838 = tpu.memref_slice %arg6[%dma_wait3A_825, %dma_wait3A_836, %dma_wait3A_837] : memref<13x128x16xf32, #tpu.memory_space<vmem>> -> memref<1x128x16xf32, #tpu.memory_space<vmem>>
          %dma_wait3A_839 = tpu.memref_squeeze %dma_wait3A_838 : memref<1x128x16xf32, #tpu.memory_space<vmem>> -> memref<128x16xf32, #tpu.memory_space<vmem>>
          tpu.wait_dma2 semaphore(%arg28 : memref<!tpu.dma_semaphore, #tpu.memory_space<semaphore_mem>>) src(%dma_wait3A_839 : memref<128x16xf32, #tpu.memory_space<vmem>>) dst(%dma_wait3A_835 : memref<128x16xf32, #tpu.memory_space<hbm>>)
        } else {
        }
        %dma_start3A_814 = arith.constant 7 : i32
        %dma_start3A_815 = arith.constant 0 : i32
        %dma_start3A_816 = arith.constant 0 : i32
        %dma_start3A_817 = tpu.memref_slice %arg6[%dma_start3A_814, %dma_start3A_815, %dma_start3A_816] : memref<13x128x16xf32, #tpu.memory_space<vmem>> -> memref<1x128x16xf32, #tpu.memory_space<vmem>>
        %dma_start3A_818 = tpu.memref_squeeze %dma_start3A_817 : memref<1x128x16xf32, #tpu.memory_space<vmem>> -> memref<128x16xf32, #tpu.memory_space<vmem>>
        %dma_start3A_819 = arith.constant 0 : i32
        %dma_start3A_820 = tpu.memref_slice %arg5[%add3A_295, %dma_start3A_819] : memref<325x128xi32, #tpu.memory_space<vmem>> -> memref<1x128xi32, #tpu.memory_space<vmem>>
        %dma_start3A_821 = tpu.memref_squeeze %dma_start3A_820 : memref<1x128xi32, #tpu.memory_space<vmem>> -> memref<128xi32, #tpu.memory_space<vmem>>
        %dma_start3A_822 = arith.constant 0 : i32
        %dma_start3A_823 = arith.constant 0 : i32
        %dma_start3A_824 = tpu.memref_slice %arg7[%dma_start3A_822, %dma_start3A_823] : memref<26000x16xf32, #tpu.memory_space<vmem_shared>> -> memref<26000x16xf32, #tpu.memory_space<vmem_shared>>
        tpu.enqueue_indirect_dma source(%dma_start3A_824 : memref<26000x16xf32, #tpu.memory_space<vmem_shared>>) target(%dma_start3A_818 : memref<128x16xf32, #tpu.memory_space<vmem>>) offsets(%dma_start3A_821 : memref<128xi32, #tpu.memory_space<vmem>>) semaphore(%arg15 : memref<!tpu.dma_semaphore, #tpu.memory_space<semaphore_mem>>)
      } else {
      }
      %add3A_329 = arith.constant 1 : i32
      %add3A_330 = arith.addi %mul3A_291, %add3A_329 : i32
      %add3A_331 = arith.constant 7 : i32
      %add3A_332 = arith.addi %add3A_330, %add3A_331 : i32
      %dma_wait3A_333 = arith.constant 1 : i32
      %dma_wait3A_334 = arith.constant 0 : i32
      %dma_wait3A_335 = arith.constant 0 : i32
      %dma_wait3A_336 = tpu.memref_slice %arg6[%dma_wait3A_333, %dma_wait3A_334, %dma_wait3A_335] : memref<13x128x16xf32, #tpu.memory_space<vmem>> -> memref<1x128x16xf32, #tpu.memory_space<vmem>>
      %dma_wait3A_337 = tpu.memref_squeeze %dma_wait3A_336 : memref<1x128x16xf32, #tpu.memory_space<vmem>> -> memref<128x16xf32, #tpu.memory_space<vmem>>
      %dma_wait3A_338 = arith.constant 0 : i32
      %dma_wait3A_339 = arith.constant 0 : i32
      %dma_wait3A_340 = tpu.memref_slice %arg4[%dma_wait3A_338, %dma_wait3A_339] : memref<1331200x16xf32, #tpu.memory_space<hbm>> -> memref<128x16xf32, #tpu.memory_space<hbm>>
      %dma_wait3A_341 = arith.constant 0 : i32
      %dma_wait3A_342 = arith.constant 0 : i32
      %dma_wait3A_343 = tpu.memref_slice %arg6[%dma_wait3A_333, %dma_wait3A_341, %dma_wait3A_342] : memref<13x128x16xf32, #tpu.memory_space<vmem>> -> memref<1x128x16xf32, #tpu.memory_space<vmem>>
      %dma_wait3A_344 = tpu.memref_squeeze %dma_wait3A_343 : memref<1x128x16xf32, #tpu.memory_space<vmem>> -> memref<128x16xf32, #tpu.memory_space<vmem>>
      %dma_wait3A_345 = arith.constant 0 : i32
      %dma_wait3A_346 = arith.constant 0 : i32
      %dma_wait3A_347 = tpu.memref_slice %arg4[%dma_wait3A_345, %dma_wait3A_346] : memref<1331200x16xf32, #tpu.memory_space<hbm>> -> memref<128x16xf32, #tpu.memory_space<hbm>>
      tpu.wait_dma2 semaphore(%arg9 : memref<!tpu.dma_semaphore, #tpu.memory_space<semaphore_mem>>) src(%dma_wait3A_347 : memref<128x16xf32, #tpu.memory_space<hbm>>) dst(%dma_wait3A_344 : memref<128x16xf32, #tpu.memory_space<vmem>>)
      %add3A_348 = arith.addi %mul3A_6, %add3A_330 : i32
      %mul3A_349 = arith.constant 128 : i32
      %mul3A_350 = arith.muli %add3A_348, %mul3A_349 : i32
      %dma_start3A_351 = arith.constant 1 : i32
      %dma_start3A_352 = arith.constant 0 : i32
      %dma_start3A_353 = arith.constant 0 : i32
      %dma_start3A_354 = tpu.memref_slice %arg6[%dma_start3A_351, %dma_start3A_352, %dma_start3A_353] : memref<13x128x16xf32, #tpu.memory_space<vmem>> -> memref<1x128x16xf32, #tpu.memory_space<vmem>>
      %dma_start3A_355 = tpu.memref_squeeze %dma_start3A_354 : memref<1x128x16xf32, #tpu.memory_space<vmem>> -> memref<128x16xf32, #tpu.memory_space<vmem>>
      %dma_start3A_356 = arith.constant 0 : i32
      %dma_start3A_357 = tpu.memref_slice %arg4[%mul3A_350, %dma_start3A_356] : memref<1331200x16xf32, #tpu.memory_space<hbm>> -> memref<128x16xf32, #tpu.memory_space<hbm>>
      %dma_start3A_358 = arith.constant 0 : i32
      %dma_start3A_359 = tpu.memref_slice %arg4[%mul3A_350, %dma_start3A_358] : memref<1331200x16xf32, #tpu.memory_space<hbm>> -> memref<128x16xf32, #tpu.memory_space<hbm>>
      %dma_start3A_360 = arith.constant 0 : i32
      %dma_start3A_361 = arith.constant 0 : i32
      %dma_start3A_362 = tpu.memref_slice %arg6[%dma_start3A_351, %dma_start3A_360, %dma_start3A_361] : memref<13x128x16xf32, #tpu.memory_space<vmem>> -> memref<1x128x16xf32, #tpu.memory_space<vmem>>
      %dma_start3A_363 = tpu.memref_squeeze %dma_start3A_362 : memref<1x128x16xf32, #tpu.memory_space<vmem>> -> memref<128x16xf32, #tpu.memory_space<vmem>>
      tpu.enqueue_dma source(%dma_start3A_363 : memref<128x16xf32, #tpu.memory_space<vmem>>) target(%dma_start3A_359 : memref<128x16xf32, #tpu.memory_space<hbm>>) target_semaphore(%arg22 : memref<!tpu.dma_semaphore, #tpu.memory_space<semaphore_mem>>)
      %lt3A_364 = arith.constant 325 : i32
      %lt3A_365 = arith.cmpi slt, %add3A_332, %lt3A_364 : i32
      %convert_element_type3A_366 = arith.extui %lt3A_365 : i1 to i32
      %cond3A_367 = arith.constant 0 : i32
      %cond3A_368 = arith.cmpi ne, %convert_element_type3A_366, %cond3A_367 : i32
      scf.if %cond3A_368 {
        %sub3A = arith.constant 13 : i32
        %sub3A_809 = arith.subi %add3A_332, %sub3A : i32
        %ge3A = arith.constant 0 : i32
        %ge3A_810 = arith.cmpi sge, %sub3A_809, %ge3A : i32
        %convert_element_type3A_811 = arith.extui %ge3A_810 : i1 to i32
        %cond3A_812 = arith.constant 0 : i32
        %cond3A_813 = arith.cmpi ne, %convert_element_type3A_811, %cond3A_812 : i32
        scf.if %cond3A_813 {
          %dma_wait3A_825 = arith.constant 8 : i32
          %dma_wait3A_826 = arith.constant 0 : i32
          %dma_wait3A_827 = arith.constant 0 : i32
          %dma_wait3A_828 = tpu.memref_slice %arg6[%dma_wait3A_825, %dma_wait3A_826, %dma_wait3A_827] : memref<13x128x16xf32, #tpu.memory_space<vmem>> -> memref<1x128x16xf32, #tpu.memory_space<vmem>>
          %dma_wait3A_829 = tpu.memref_squeeze %dma_wait3A_828 : memref<1x128x16xf32, #tpu.memory_space<vmem>> -> memref<128x16xf32, #tpu.memory_space<vmem>>
          %dma_wait3A_830 = arith.constant 0 : i32
          %dma_wait3A_831 = arith.constant 0 : i32
          %dma_wait3A_832 = tpu.memref_slice %arg4[%dma_wait3A_830, %dma_wait3A_831] : memref<1331200x16xf32, #tpu.memory_space<hbm>> -> memref<128x16xf32, #tpu.memory_space<hbm>>
          %dma_wait3A_833 = arith.constant 0 : i32
          %dma_wait3A_834 = arith.constant 0 : i32
          %dma_wait3A_835 = tpu.memref_slice %arg4[%dma_wait3A_833, %dma_wait3A_834] : memref<1331200x16xf32, #tpu.memory_space<hbm>> -> memref<128x16xf32, #tpu.memory_space<hbm>>
          %dma_wait3A_836 = arith.constant 0 : i32
          %dma_wait3A_837 = arith.constant 0 : i32
          %dma_wait3A_838 = tpu.memref_slice %arg6[%dma_wait3A_825, %dma_wait3A_836, %dma_wait3A_837] : memref<13x128x16xf32, #tpu.memory_space<vmem>> -> memref<1x128x16xf32, #tpu.memory_space<vmem>>
          %dma_wait3A_839 = tpu.memref_squeeze %dma_wait3A_838 : memref<1x128x16xf32, #tpu.memory_space<vmem>> -> memref<128x16xf32, #tpu.memory_space<vmem>>
          tpu.wait_dma2 semaphore(%arg29 : memref<!tpu.dma_semaphore, #tpu.memory_space<semaphore_mem>>) src(%dma_wait3A_839 : memref<128x16xf32, #tpu.memory_space<vmem>>) dst(%dma_wait3A_835 : memref<128x16xf32, #tpu.memory_space<hbm>>)
        } else {
        }
        %dma_start3A_814 = arith.constant 8 : i32
        %dma_start3A_815 = arith.constant 0 : i32
        %dma_start3A_816 = arith.constant 0 : i32
        %dma_start3A_817 = tpu.memref_slice %arg6[%dma_start3A_814, %dma_start3A_815, %dma_start3A_816] : memref<13x128x16xf32, #tpu.memory_space<vmem>> -> memref<1x128x16xf32, #tpu.memory_space<vmem>>
        %dma_start3A_818 = tpu.memref_squeeze %dma_start3A_817 : memref<1x128x16xf32, #tpu.memory_space<vmem>> -> memref<128x16xf32, #tpu.memory_space<vmem>>
        %dma_start3A_819 = arith.constant 0 : i32
        %dma_start3A_820 = tpu.memref_slice %arg5[%add3A_332, %dma_start3A_819] : memref<325x128xi32, #tpu.memory_space<vmem>> -> memref<1x128xi32, #tpu.memory_space<vmem>>
        %dma_start3A_821 = tpu.memref_squeeze %dma_start3A_820 : memref<1x128xi32, #tpu.memory_space<vmem>> -> memref<128xi32, #tpu.memory_space<vmem>>
        %dma_start3A_822 = arith.constant 0 : i32
        %dma_start3A_823 = arith.constant 0 : i32
        %dma_start3A_824 = tpu.memref_slice %arg7[%dma_start3A_822, %dma_start3A_823] : memref<26000x16xf32, #tpu.memory_space<vmem_shared>> -> memref<26000x16xf32, #tpu.memory_space<vmem_shared>>
        tpu.enqueue_indirect_dma source(%dma_start3A_824 : memref<26000x16xf32, #tpu.memory_space<vmem_shared>>) target(%dma_start3A_818 : memref<128x16xf32, #tpu.memory_space<vmem>>) offsets(%dma_start3A_821 : memref<128xi32, #tpu.memory_space<vmem>>) semaphore(%arg16 : memref<!tpu.dma_semaphore, #tpu.memory_space<semaphore_mem>>)
      } else {
      }
      %add3A_369 = arith.constant 2 : i32
      %add3A_370 = arith.addi %mul3A_291, %add3A_369 : i32
      %add3A_371 = arith.constant 7 : i32
      %add3A_372 = arith.addi %add3A_370, %add3A_371 : i32
      %dma_wait3A_373 = arith.constant 2 : i32
      %dma_wait3A_374 = arith.constant 0 : i32
      %dma_wait3A_375 = arith.constant 0 : i32
      %dma_wait3A_376 = tpu.memref_slice %arg6[%dma_wait3A_373, %dma_wait3A_374, %dma_wait3A_375] : memref<13x128x16xf32, #tpu.memory_space<vmem>> -> memref<1x128x16xf32, #tpu.memory_space<vmem>>
      %dma_wait3A_377 = tpu.memref_squeeze %dma_wait3A_376 : memref<1x128x16xf32, #tpu.memory_space<vmem>> -> memref<128x16xf32, #tpu.memory_space<vmem>>
      %dma_wait3A_378 = arith.constant 0 : i32
      %dma_wait3A_379 = arith.constant 0 : i32
      %dma_wait3A_380 = tpu.memref_slice %arg4[%dma_wait3A_378, %dma_wait3A_379] : memref<1331200x16xf32, #tpu.memory_space<hbm>> -> memref<128x16xf32, #tpu.memory_space<hbm>>
      %dma_wait3A_381 = arith.constant 0 : i32
      %dma_wait3A_382 = arith.constant 0 : i32
      %dma_wait3A_383 = tpu.memref_slice %arg6[%dma_wait3A_373, %dma_wait3A_381, %dma_wait3A_382] : memref<13x128x16xf32, #tpu.memory_space<vmem>> -> memref<1x128x16xf32, #tpu.memory_space<vmem>>
      %dma_wait3A_384 = tpu.memref_squeeze %dma_wait3A_383 : memref<1x128x16xf32, #tpu.memory_space<vmem>> -> memref<128x16xf32, #tpu.memory_space<vmem>>
      %dma_wait3A_385 = arith.constant 0 : i32
      %dma_wait3A_386 = arith.constant 0 : i32
      %dma_wait3A_387 = tpu.memref_slice %arg4[%dma_wait3A_385, %dma_wait3A_386] : memref<1331200x16xf32, #tpu.memory_space<hbm>> -> memref<128x16xf32, #tpu.memory_space<hbm>>
      tpu.wait_dma2 semaphore(%arg10 : memref<!tpu.dma_semaphore, #tpu.memory_space<semaphore_mem>>) src(%dma_wait3A_387 : memref<128x16xf32, #tpu.memory_space<hbm>>) dst(%dma_wait3A_384 : memref<128x16xf32, #tpu.memory_space<vmem>>)
      %add3A_388 = arith.addi %mul3A_6, %add3A_370 : i32
      %mul3A_389 = arith.constant 128 : i32
      %mul3A_390 = arith.muli %add3A_388, %mul3A_389 : i32
      %dma_start3A_391 = arith.constant 2 : i32
      %dma_start3A_392 = arith.constant 0 : i32
      %dma_start3A_393 = arith.constant 0 : i32
      %dma_start3A_394 = tpu.memref_slice %arg6[%dma_start3A_391, %dma_start3A_392, %dma_start3A_393] : memref<13x128x16xf32, #tpu.memory_space<vmem>> -> memref<1x128x16xf32, #tpu.memory_space<vmem>>
      %dma_start3A_395 = tpu.memref_squeeze %dma_start3A_394 : memref<1x128x16xf32, #tpu.memory_space<vmem>> -> memref<128x16xf32, #tpu.memory_space<vmem>>
      %dma_start3A_396 = arith.constant 0 : i32
      %dma_start3A_397 = tpu.memref_slice %arg4[%mul3A_390, %dma_start3A_396] : memref<1331200x16xf32, #tpu.memory_space<hbm>> -> memref<128x16xf32, #tpu.memory_space<hbm>>
      %dma_start3A_398 = arith.constant 0 : i32
      %dma_start3A_399 = tpu.memref_slice %arg4[%mul3A_390, %dma_start3A_398] : memref<1331200x16xf32, #tpu.memory_space<hbm>> -> memref<128x16xf32, #tpu.memory_space<hbm>>
      %dma_start3A_400 = arith.constant 0 : i32
      %dma_start3A_401 = arith.constant 0 : i32
      %dma_start3A_402 = tpu.memref_slice %arg6[%dma_start3A_391, %dma_start3A_400, %dma_start3A_401] : memref<13x128x16xf32, #tpu.memory_space<vmem>> -> memref<1x128x16xf32, #tpu.memory_space<vmem>>
      %dma_start3A_403 = tpu.memref_squeeze %dma_start3A_402 : memref<1x128x16xf32, #tpu.memory_space<vmem>> -> memref<128x16xf32, #tpu.memory_space<vmem>>
      tpu.enqueue_dma source(%dma_start3A_403 : memref<128x16xf32, #tpu.memory_space<vmem>>) target(%dma_start3A_399 : memref<128x16xf32, #tpu.memory_space<hbm>>) target_semaphore(%arg23 : memref<!tpu.dma_semaphore, #tpu.memory_space<semaphore_mem>>)
      %lt3A_404 = arith.constant 325 : i32
      %lt3A_405 = arith.cmpi slt, %add3A_372, %lt3A_404 : i32
      %convert_element_type3A_406 = arith.extui %lt3A_405 : i1 to i32
      %cond3A_407 = arith.constant 0 : i32
      %cond3A_408 = arith.cmpi ne, %convert_element_type3A_406, %cond3A_407 : i32
      scf.if %cond3A_408 {
        %sub3A = arith.constant 13 : i32
        %sub3A_809 = arith.subi %add3A_372, %sub3A : i32
        %ge3A = arith.constant 0 : i32
        %ge3A_810 = arith.cmpi sge, %sub3A_809, %ge3A : i32
        %convert_element_type3A_811 = arith.extui %ge3A_810 : i1 to i32
        %cond3A_812 = arith.constant 0 : i32
        %cond3A_813 = arith.cmpi ne, %convert_element_type3A_811, %cond3A_812 : i32
        scf.if %cond3A_813 {
          %dma_wait3A_825 = arith.constant 9 : i32
          %dma_wait3A_826 = arith.constant 0 : i32
          %dma_wait3A_827 = arith.constant 0 : i32
          %dma_wait3A_828 = tpu.memref_slice %arg6[%dma_wait3A_825, %dma_wait3A_826, %dma_wait3A_827] : memref<13x128x16xf32, #tpu.memory_space<vmem>> -> memref<1x128x16xf32, #tpu.memory_space<vmem>>
          %dma_wait3A_829 = tpu.memref_squeeze %dma_wait3A_828 : memref<1x128x16xf32, #tpu.memory_space<vmem>> -> memref<128x16xf32, #tpu.memory_space<vmem>>
          %dma_wait3A_830 = arith.constant 0 : i32
          %dma_wait3A_831 = arith.constant 0 : i32
          %dma_wait3A_832 = tpu.memref_slice %arg4[%dma_wait3A_830, %dma_wait3A_831] : memref<1331200x16xf32, #tpu.memory_space<hbm>> -> memref<128x16xf32, #tpu.memory_space<hbm>>
          %dma_wait3A_833 = arith.constant 0 : i32
          %dma_wait3A_834 = arith.constant 0 : i32
          %dma_wait3A_835 = tpu.memref_slice %arg4[%dma_wait3A_833, %dma_wait3A_834] : memref<1331200x16xf32, #tpu.memory_space<hbm>> -> memref<128x16xf32, #tpu.memory_space<hbm>>
          %dma_wait3A_836 = arith.constant 0 : i32
          %dma_wait3A_837 = arith.constant 0 : i32
          %dma_wait3A_838 = tpu.memref_slice %arg6[%dma_wait3A_825, %dma_wait3A_836, %dma_wait3A_837] : memref<13x128x16xf32, #tpu.memory_space<vmem>> -> memref<1x128x16xf32, #tpu.memory_space<vmem>>
          %dma_wait3A_839 = tpu.memref_squeeze %dma_wait3A_838 : memref<1x128x16xf32, #tpu.memory_space<vmem>> -> memref<128x16xf32, #tpu.memory_space<vmem>>
          tpu.wait_dma2 semaphore(%arg30 : memref<!tpu.dma_semaphore, #tpu.memory_space<semaphore_mem>>) src(%dma_wait3A_839 : memref<128x16xf32, #tpu.memory_space<vmem>>) dst(%dma_wait3A_835 : memref<128x16xf32, #tpu.memory_space<hbm>>)
        } else {
        }
        %dma_start3A_814 = arith.constant 9 : i32
        %dma_start3A_815 = arith.constant 0 : i32
        %dma_start3A_816 = arith.constant 0 : i32
        %dma_start3A_817 = tpu.memref_slice %arg6[%dma_start3A_814, %dma_start3A_815, %dma_start3A_816] : memref<13x128x16xf32, #tpu.memory_space<vmem>> -> memref<1x128x16xf32, #tpu.memory_space<vmem>>
        %dma_start3A_818 = tpu.memref_squeeze %dma_start3A_817 : memref<1x128x16xf32, #tpu.memory_space<vmem>> -> memref<128x16xf32, #tpu.memory_space<vmem>>
        %dma_start3A_819 = arith.constant 0 : i32
        %dma_start3A_820 = tpu.memref_slice %arg5[%add3A_372, %dma_start3A_819] : memref<325x128xi32, #tpu.memory_space<vmem>> -> memref<1x128xi32, #tpu.memory_space<vmem>>
        %dma_start3A_821 = tpu.memref_squeeze %dma_start3A_820 : memref<1x128xi32, #tpu.memory_space<vmem>> -> memref<128xi32, #tpu.memory_space<vmem>>
        %dma_start3A_822 = arith.constant 0 : i32
        %dma_start3A_823 = arith.constant 0 : i32
        %dma_start3A_824 = tpu.memref_slice %arg7[%dma_start3A_822, %dma_start3A_823] : memref<26000x16xf32, #tpu.memory_space<vmem_shared>> -> memref<26000x16xf32, #tpu.memory_space<vmem_shared>>
        tpu.enqueue_indirect_dma source(%dma_start3A_824 : memref<26000x16xf32, #tpu.memory_space<vmem_shared>>) target(%dma_start3A_818 : memref<128x16xf32, #tpu.memory_space<vmem>>) offsets(%dma_start3A_821 : memref<128xi32, #tpu.memory_space<vmem>>) semaphore(%arg17 : memref<!tpu.dma_semaphore, #tpu.memory_space<semaphore_mem>>)
      } else {
      }
      %add3A_409 = arith.constant 3 : i32
      %add3A_410 = arith.addi %mul3A_291, %add3A_409 : i32
      %add3A_411 = arith.constant 7 : i32
      %add3A_412 = arith.addi %add3A_410, %add3A_411 : i32
      %dma_wait3A_413 = arith.constant 3 : i32
      %dma_wait3A_414 = arith.constant 0 : i32
      %dma_wait3A_415 = arith.constant 0 : i32
      %dma_wait3A_416 = tpu.memref_slice %arg6[%dma_wait3A_413, %dma_wait3A_414, %dma_wait3A_415] : memref<13x128x16xf32, #tpu.memory_space<vmem>> -> memref<1x128x16xf32, #tpu.memory_space<vmem>>
      %dma_wait3A_417 = tpu.memref_squeeze %dma_wait3A_416 : memref<1x128x16xf32, #tpu.memory_space<vmem>> -> memref<128x16xf32, #tpu.memory_space<vmem>>
      %dma_wait3A_418 = arith.constant 0 : i32
      %dma_wait3A_419 = arith.constant 0 : i32
      %dma_wait3A_420 = tpu.memref_slice %arg4[%dma_wait3A_418, %dma_wait3A_419] : memref<1331200x16xf32, #tpu.memory_space<hbm>> -> memref<128x16xf32, #tpu.memory_space<hbm>>
      %dma_wait3A_421 = arith.constant 0 : i32
      %dma_wait3A_422 = arith.constant 0 : i32
      %dma_wait3A_423 = tpu.memref_slice %arg6[%dma_wait3A_413, %dma_wait3A_421, %dma_wait3A_422] : memref<13x128x16xf32, #tpu.memory_space<vmem>> -> memref<1x128x16xf32, #tpu.memory_space<vmem>>
      %dma_wait3A_424 = tpu.memref_squeeze %dma_wait3A_423 : memref<1x128x16xf32, #tpu.memory_space<vmem>> -> memref<128x16xf32, #tpu.memory_space<vmem>>
      %dma_wait3A_425 = arith.constant 0 : i32
      %dma_wait3A_426 = arith.constant 0 : i32
      %dma_wait3A_427 = tpu.memref_slice %arg4[%dma_wait3A_425, %dma_wait3A_426] : memref<1331200x16xf32, #tpu.memory_space<hbm>> -> memref<128x16xf32, #tpu.memory_space<hbm>>
      tpu.wait_dma2 semaphore(%arg11 : memref<!tpu.dma_semaphore, #tpu.memory_space<semaphore_mem>>) src(%dma_wait3A_427 : memref<128x16xf32, #tpu.memory_space<hbm>>) dst(%dma_wait3A_424 : memref<128x16xf32, #tpu.memory_space<vmem>>)
      %add3A_428 = arith.addi %mul3A_6, %add3A_410 : i32
      %mul3A_429 = arith.constant 128 : i32
      %mul3A_430 = arith.muli %add3A_428, %mul3A_429 : i32
      %dma_start3A_431 = arith.constant 3 : i32
      %dma_start3A_432 = arith.constant 0 : i32
      %dma_start3A_433 = arith.constant 0 : i32
      %dma_start3A_434 = tpu.memref_slice %arg6[%dma_start3A_431, %dma_start3A_432, %dma_start3A_433] : memref<13x128x16xf32, #tpu.memory_space<vmem>> -> memref<1x128x16xf32, #tpu.memory_space<vmem>>
      %dma_start3A_435 = tpu.memref_squeeze %dma_start3A_434 : memref<1x128x16xf32, #tpu.memory_space<vmem>> -> memref<128x16xf32, #tpu.memory_space<vmem>>
      %dma_start3A_436 = arith.constant 0 : i32
      %dma_start3A_437 = tpu.memref_slice %arg4[%mul3A_430, %dma_start3A_436] : memref<1331200x16xf32, #tpu.memory_space<hbm>> -> memref<128x16xf32, #tpu.memory_space<hbm>>
      %dma_start3A_438 = arith.constant 0 : i32
      %dma_start3A_439 = tpu.memref_slice %arg4[%mul3A_430, %dma_start3A_438] : memref<1331200x16xf32, #tpu.memory_space<hbm>> -> memref<128x16xf32, #tpu.memory_space<hbm>>
      %dma_start3A_440 = arith.constant 0 : i32
      %dma_start3A_441 = arith.constant 0 : i32
      %dma_start3A_442 = tpu.memref_slice %arg6[%dma_start3A_431, %dma_start3A_440, %dma_start3A_441] : memref<13x128x16xf32, #tpu.memory_space<vmem>> -> memref<1x128x16xf32, #tpu.memory_space<vmem>>
      %dma_start3A_443 = tpu.memref_squeeze %dma_start3A_442 : memref<1x128x16xf32, #tpu.memory_space<vmem>> -> memref<128x16xf32, #tpu.memory_space<vmem>>
      tpu.enqueue_dma source(%dma_start3A_443 : memref<128x16xf32, #tpu.memory_space<vmem>>) target(%dma_start3A_439 : memref<128x16xf32, #tpu.memory_space<hbm>>) target_semaphore(%arg24 : memref<!tpu.dma_semaphore, #tpu.memory_space<semaphore_mem>>)
      %lt3A_444 = arith.constant 325 : i32
      %lt3A_445 = arith.cmpi slt, %add3A_412, %lt3A_444 : i32
      %convert_element_type3A_446 = arith.extui %lt3A_445 : i1 to i32
      %cond3A_447 = arith.constant 0 : i32
      %cond3A_448 = arith.cmpi ne, %convert_element_type3A_446, %cond3A_447 : i32
      scf.if %cond3A_448 {
        %sub3A = arith.constant 13 : i32
        %sub3A_809 = arith.subi %add3A_412, %sub3A : i32
        %ge3A = arith.constant 0 : i32
        %ge3A_810 = arith.cmpi sge, %sub3A_809, %ge3A : i32
        %convert_element_type3A_811 = arith.extui %ge3A_810 : i1 to i32
        %cond3A_812 = arith.constant 0 : i32
        %cond3A_813 = arith.cmpi ne, %convert_element_type3A_811, %cond3A_812 : i32
        scf.if %cond3A_813 {
          %dma_wait3A_825 = arith.constant 10 : i32
          %dma_wait3A_826 = arith.constant 0 : i32
          %dma_wait3A_827 = arith.constant 0 : i32
          %dma_wait3A_828 = tpu.memref_slice %arg6[%dma_wait3A_825, %dma_wait3A_826, %dma_wait3A_827] : memref<13x128x16xf32, #tpu.memory_space<vmem>> -> memref<1x128x16xf32, #tpu.memory_space<vmem>>
          %dma_wait3A_829 = tpu.memref_squeeze %dma_wait3A_828 : memref<1x128x16xf32, #tpu.memory_space<vmem>> -> memref<128x16xf32, #tpu.memory_space<vmem>>
          %dma_wait3A_830 = arith.constant 0 : i32
          %dma_wait3A_831 = arith.constant 0 : i32
          %dma_wait3A_832 = tpu.memref_slice %arg4[%dma_wait3A_830, %dma_wait3A_831] : memref<1331200x16xf32, #tpu.memory_space<hbm>> -> memref<128x16xf32, #tpu.memory_space<hbm>>
          %dma_wait3A_833 = arith.constant 0 : i32
          %dma_wait3A_834 = arith.constant 0 : i32
          %dma_wait3A_835 = tpu.memref_slice %arg4[%dma_wait3A_833, %dma_wait3A_834] : memref<1331200x16xf32, #tpu.memory_space<hbm>> -> memref<128x16xf32, #tpu.memory_space<hbm>>
          %dma_wait3A_836 = arith.constant 0 : i32
          %dma_wait3A_837 = arith.constant 0 : i32
          %dma_wait3A_838 = tpu.memref_slice %arg6[%dma_wait3A_825, %dma_wait3A_836, %dma_wait3A_837] : memref<13x128x16xf32, #tpu.memory_space<vmem>> -> memref<1x128x16xf32, #tpu.memory_space<vmem>>
          %dma_wait3A_839 = tpu.memref_squeeze %dma_wait3A_838 : memref<1x128x16xf32, #tpu.memory_space<vmem>> -> memref<128x16xf32, #tpu.memory_space<vmem>>
          tpu.wait_dma2 semaphore(%arg31 : memref<!tpu.dma_semaphore, #tpu.memory_space<semaphore_mem>>) src(%dma_wait3A_839 : memref<128x16xf32, #tpu.memory_space<vmem>>) dst(%dma_wait3A_835 : memref<128x16xf32, #tpu.memory_space<hbm>>)
        } else {
        }
        %dma_start3A_814 = arith.constant 10 : i32
        %dma_start3A_815 = arith.constant 0 : i32
        %dma_start3A_816 = arith.constant 0 : i32
        %dma_start3A_817 = tpu.memref_slice %arg6[%dma_start3A_814, %dma_start3A_815, %dma_start3A_816] : memref<13x128x16xf32, #tpu.memory_space<vmem>> -> memref<1x128x16xf32, #tpu.memory_space<vmem>>
        %dma_start3A_818 = tpu.memref_squeeze %dma_start3A_817 : memref<1x128x16xf32, #tpu.memory_space<vmem>> -> memref<128x16xf32, #tpu.memory_space<vmem>>
        %dma_start3A_819 = arith.constant 0 : i32
        %dma_start3A_820 = tpu.memref_slice %arg5[%add3A_412, %dma_start3A_819] : memref<325x128xi32, #tpu.memory_space<vmem>> -> memref<1x128xi32, #tpu.memory_space<vmem>>
        %dma_start3A_821 = tpu.memref_squeeze %dma_start3A_820 : memref<1x128xi32, #tpu.memory_space<vmem>> -> memref<128xi32, #tpu.memory_space<vmem>>
        %dma_start3A_822 = arith.constant 0 : i32
        %dma_start3A_823 = arith.constant 0 : i32
        %dma_start3A_824 = tpu.memref_slice %arg7[%dma_start3A_822, %dma_start3A_823] : memref<26000x16xf32, #tpu.memory_space<vmem_shared>> -> memref<26000x16xf32, #tpu.memory_space<vmem_shared>>
        tpu.enqueue_indirect_dma source(%dma_start3A_824 : memref<26000x16xf32, #tpu.memory_space<vmem_shared>>) target(%dma_start3A_818 : memref<128x16xf32, #tpu.memory_space<vmem>>) offsets(%dma_start3A_821 : memref<128xi32, #tpu.memory_space<vmem>>) semaphore(%arg18 : memref<!tpu.dma_semaphore, #tpu.memory_space<semaphore_mem>>)
      } else {
      }
      %add3A_449 = arith.constant 4 : i32
      %add3A_450 = arith.addi %mul3A_291, %add3A_449 : i32
      %add3A_451 = arith.constant 7 : i32
      %add3A_452 = arith.addi %add3A_450, %add3A_451 : i32
      %dma_wait3A_453 = arith.constant 4 : i32
      %dma_wait3A_454 = arith.constant 0 : i32
      %dma_wait3A_455 = arith.constant 0 : i32
      %dma_wait3A_456 = tpu.memref_slice %arg6[%dma_wait3A_453, %dma_wait3A_454, %dma_wait3A_455] : memref<13x128x16xf32, #tpu.memory_space<vmem>> -> memref<1x128x16xf32, #tpu.memory_space<vmem>>
      %dma_wait3A_457 = tpu.memref_squeeze %dma_wait3A_456 : memref<1x128x16xf32, #tpu.memory_space<vmem>> -> memref<128x16xf32, #tpu.memory_space<vmem>>
      %dma_wait3A_458 = arith.constant 0 : i32
      %dma_wait3A_459 = arith.constant 0 : i32
      %dma_wait3A_460 = tpu.memref_slice %arg4[%dma_wait3A_458, %dma_wait3A_459] : memref<1331200x16xf32, #tpu.memory_space<hbm>> -> memref<128x16xf32, #tpu.memory_space<hbm>>
      %dma_wait3A_461 = arith.constant 0 : i32
      %dma_wait3A_462 = arith.constant 0 : i32
      %dma_wait3A_463 = tpu.memref_slice %arg6[%dma_wait3A_453, %dma_wait3A_461, %dma_wait3A_462] : memref<13x128x16xf32, #tpu.memory_space<vmem>> -> memref<1x128x16xf32, #tpu.memory_space<vmem>>
      %dma_wait3A_464 = tpu.memref_squeeze %dma_wait3A_463 : memref<1x128x16xf32, #tpu.memory_space<vmem>> -> memref<128x16xf32, #tpu.memory_space<vmem>>
      %dma_wait3A_465 = arith.constant 0 : i32
      %dma_wait3A_466 = arith.constant 0 : i32
      %dma_wait3A_467 = tpu.memref_slice %arg4[%dma_wait3A_465, %dma_wait3A_466] : memref<1331200x16xf32, #tpu.memory_space<hbm>> -> memref<128x16xf32, #tpu.memory_space<hbm>>
      tpu.wait_dma2 semaphore(%arg12 : memref<!tpu.dma_semaphore, #tpu.memory_space<semaphore_mem>>) src(%dma_wait3A_467 : memref<128x16xf32, #tpu.memory_space<hbm>>) dst(%dma_wait3A_464 : memref<128x16xf32, #tpu.memory_space<vmem>>)
      %add3A_468 = arith.addi %mul3A_6, %add3A_450 : i32
      %mul3A_469 = arith.constant 128 : i32
      %mul3A_470 = arith.muli %add3A_468, %mul3A_469 : i32
      %dma_start3A_471 = arith.constant 4 : i32
      %dma_start3A_472 = arith.constant 0 : i32
      %dma_start3A_473 = arith.constant 0 : i32
      %dma_start3A_474 = tpu.memref_slice %arg6[%dma_start3A_471, %dma_start3A_472, %dma_start3A_473] : memref<13x128x16xf32, #tpu.memory_space<vmem>> -> memref<1x128x16xf32, #tpu.memory_space<vmem>>
      %dma_start3A_475 = tpu.memref_squeeze %dma_start3A_474 : memref<1x128x16xf32, #tpu.memory_space<vmem>> -> memref<128x16xf32, #tpu.memory_space<vmem>>
      %dma_start3A_476 = arith.constant 0 : i32
      %dma_start3A_477 = tpu.memref_slice %arg4[%mul3A_470, %dma_start3A_476] : memref<1331200x16xf32, #tpu.memory_space<hbm>> -> memref<128x16xf32, #tpu.memory_space<hbm>>
      %dma_start3A_478 = arith.constant 0 : i32
      %dma_start3A_479 = tpu.memref_slice %arg4[%mul3A_470, %dma_start3A_478] : memref<1331200x16xf32, #tpu.memory_space<hbm>> -> memref<128x16xf32, #tpu.memory_space<hbm>>
      %dma_start3A_480 = arith.constant 0 : i32
      %dma_start3A_481 = arith.constant 0 : i32
      %dma_start3A_482 = tpu.memref_slice %arg6[%dma_start3A_471, %dma_start3A_480, %dma_start3A_481] : memref<13x128x16xf32, #tpu.memory_space<vmem>> -> memref<1x128x16xf32, #tpu.memory_space<vmem>>
      %dma_start3A_483 = tpu.memref_squeeze %dma_start3A_482 : memref<1x128x16xf32, #tpu.memory_space<vmem>> -> memref<128x16xf32, #tpu.memory_space<vmem>>
      tpu.enqueue_dma source(%dma_start3A_483 : memref<128x16xf32, #tpu.memory_space<vmem>>) target(%dma_start3A_479 : memref<128x16xf32, #tpu.memory_space<hbm>>) target_semaphore(%arg25 : memref<!tpu.dma_semaphore, #tpu.memory_space<semaphore_mem>>)
      %lt3A_484 = arith.constant 325 : i32
      %lt3A_485 = arith.cmpi slt, %add3A_452, %lt3A_484 : i32
      %convert_element_type3A_486 = arith.extui %lt3A_485 : i1 to i32
      %cond3A_487 = arith.constant 0 : i32
      %cond3A_488 = arith.cmpi ne, %convert_element_type3A_486, %cond3A_487 : i32
      scf.if %cond3A_488 {
        %sub3A = arith.constant 13 : i32
        %sub3A_809 = arith.subi %add3A_452, %sub3A : i32
        %ge3A = arith.constant 0 : i32
        %ge3A_810 = arith.cmpi sge, %sub3A_809, %ge3A : i32
        %convert_element_type3A_811 = arith.extui %ge3A_810 : i1 to i32
        %cond3A_812 = arith.constant 0 : i32
        %cond3A_813 = arith.cmpi ne, %convert_element_type3A_811, %cond3A_812 : i32
        scf.if %cond3A_813 {
          %dma_wait3A_825 = arith.constant 11 : i32
          %dma_wait3A_826 = arith.constant 0 : i32
          %dma_wait3A_827 = arith.constant 0 : i32
          %dma_wait3A_828 = tpu.memref_slice %arg6[%dma_wait3A_825, %dma_wait3A_826, %dma_wait3A_827] : memref<13x128x16xf32, #tpu.memory_space<vmem>> -> memref<1x128x16xf32, #tpu.memory_space<vmem>>
          %dma_wait3A_829 = tpu.memref_squeeze %dma_wait3A_828 : memref<1x128x16xf32, #tpu.memory_space<vmem>> -> memref<128x16xf32, #tpu.memory_space<vmem>>
          %dma_wait3A_830 = arith.constant 0 : i32
          %dma_wait3A_831 = arith.constant 0 : i32
          %dma_wait3A_832 = tpu.memref_slice %arg4[%dma_wait3A_830, %dma_wait3A_831] : memref<1331200x16xf32, #tpu.memory_space<hbm>> -> memref<128x16xf32, #tpu.memory_space<hbm>>
          %dma_wait3A_833 = arith.constant 0 : i32
          %dma_wait3A_834 = arith.constant 0 : i32
          %dma_wait3A_835 = tpu.memref_slice %arg4[%dma_wait3A_833, %dma_wait3A_834] : memref<1331200x16xf32, #tpu.memory_space<hbm>> -> memref<128x16xf32, #tpu.memory_space<hbm>>
          %dma_wait3A_836 = arith.constant 0 : i32
          %dma_wait3A_837 = arith.constant 0 : i32
          %dma_wait3A_838 = tpu.memref_slice %arg6[%dma_wait3A_825, %dma_wait3A_836, %dma_wait3A_837] : memref<13x128x16xf32, #tpu.memory_space<vmem>> -> memref<1x128x16xf32, #tpu.memory_space<vmem>>
          %dma_wait3A_839 = tpu.memref_squeeze %dma_wait3A_838 : memref<1x128x16xf32, #tpu.memory_space<vmem>> -> memref<128x16xf32, #tpu.memory_space<vmem>>
          tpu.wait_dma2 semaphore(%arg32 : memref<!tpu.dma_semaphore, #tpu.memory_space<semaphore_mem>>) src(%dma_wait3A_839 : memref<128x16xf32, #tpu.memory_space<vmem>>) dst(%dma_wait3A_835 : memref<128x16xf32, #tpu.memory_space<hbm>>)
        } else {
        }
        %dma_start3A_814 = arith.constant 11 : i32
        %dma_start3A_815 = arith.constant 0 : i32
        %dma_start3A_816 = arith.constant 0 : i32
        %dma_start3A_817 = tpu.memref_slice %arg6[%dma_start3A_814, %dma_start3A_815, %dma_start3A_816] : memref<13x128x16xf32, #tpu.memory_space<vmem>> -> memref<1x128x16xf32, #tpu.memory_space<vmem>>
        %dma_start3A_818 = tpu.memref_squeeze %dma_start3A_817 : memref<1x128x16xf32, #tpu.memory_space<vmem>> -> memref<128x16xf32, #tpu.memory_space<vmem>>
        %dma_start3A_819 = arith.constant 0 : i32
        %dma_start3A_820 = tpu.memref_slice %arg5[%add3A_452, %dma_start3A_819] : memref<325x128xi32, #tpu.memory_space<vmem>> -> memref<1x128xi32, #tpu.memory_space<vmem>>
        %dma_start3A_821 = tpu.memref_squeeze %dma_start3A_820 : memref<1x128xi32, #tpu.memory_space<vmem>> -> memref<128xi32, #tpu.memory_space<vmem>>
        %dma_start3A_822 = arith.constant 0 : i32
        %dma_start3A_823 = arith.constant 0 : i32
        %dma_start3A_824 = tpu.memref_slice %arg7[%dma_start3A_822, %dma_start3A_823] : memref<26000x16xf32, #tpu.memory_space<vmem_shared>> -> memref<26000x16xf32, #tpu.memory_space<vmem_shared>>
        tpu.enqueue_indirect_dma source(%dma_start3A_824 : memref<26000x16xf32, #tpu.memory_space<vmem_shared>>) target(%dma_start3A_818 : memref<128x16xf32, #tpu.memory_space<vmem>>) offsets(%dma_start3A_821 : memref<128xi32, #tpu.memory_space<vmem>>) semaphore(%arg19 : memref<!tpu.dma_semaphore, #tpu.memory_space<semaphore_mem>>)
      } else {
      }
      %add3A_489 = arith.constant 5 : i32
      %add3A_490 = arith.addi %mul3A_291, %add3A_489 : i32
      %add3A_491 = arith.constant 7 : i32
      %add3A_492 = arith.addi %add3A_490, %add3A_491 : i32
      %dma_wait3A_493 = arith.constant 5 : i32
      %dma_wait3A_494 = arith.constant 0 : i32
      %dma_wait3A_495 = arith.constant 0 : i32
      %dma_wait3A_496 = tpu.memref_slice %arg6[%dma_wait3A_493, %dma_wait3A_494, %dma_wait3A_495] : memref<13x128x16xf32, #tpu.memory_space<vmem>> -> memref<1x128x16xf32, #tpu.memory_space<vmem>>
      %dma_wait3A_497 = tpu.memref_squeeze %dma_wait3A_496 : memref<1x128x16xf32, #tpu.memory_space<vmem>> -> memref<128x16xf32, #tpu.memory_space<vmem>>
      %dma_wait3A_498 = arith.constant 0 : i32
      %dma_wait3A_499 = arith.constant 0 : i32
      %dma_wait3A_500 = tpu.memref_slice %arg4[%dma_wait3A_498, %dma_wait3A_499] : memref<1331200x16xf32, #tpu.memory_space<hbm>> -> memref<128x16xf32, #tpu.memory_space<hbm>>
      %dma_wait3A_501 = arith.constant 0 : i32
      %dma_wait3A_502 = arith.constant 0 : i32
      %dma_wait3A_503 = tpu.memref_slice %arg6[%dma_wait3A_493, %dma_wait3A_501, %dma_wait3A_502] : memref<13x128x16xf32, #tpu.memory_space<vmem>> -> memref<1x128x16xf32, #tpu.memory_space<vmem>>
      %dma_wait3A_504 = tpu.memref_squeeze %dma_wait3A_503 : memref<1x128x16xf32, #tpu.memory_space<vmem>> -> memref<128x16xf32, #tpu.memory_space<vmem>>
      %dma_wait3A_505 = arith.constant 0 : i32
      %dma_wait3A_506 = arith.constant 0 : i32
      %dma_wait3A_507 = tpu.memref_slice %arg4[%dma_wait3A_505, %dma_wait3A_506] : memref<1331200x16xf32, #tpu.memory_space<hbm>> -> memref<128x16xf32, #tpu.memory_space<hbm>>
      tpu.wait_dma2 semaphore(%arg13 : memref<!tpu.dma_semaphore, #tpu.memory_space<semaphore_mem>>) src(%dma_wait3A_507 : memref<128x16xf32, #tpu.memory_space<hbm>>) dst(%dma_wait3A_504 : memref<128x16xf32, #tpu.memory_space<vmem>>)
      %add3A_508 = arith.addi %mul3A_6, %add3A_490 : i32
      %mul3A_509 = arith.constant 128 : i32
      %mul3A_510 = arith.muli %add3A_508, %mul3A_509 : i32
      %dma_start3A_511 = arith.constant 5 : i32
      %dma_start3A_512 = arith.constant 0 : i32
      %dma_start3A_513 = arith.constant 0 : i32
      %dma_start3A_514 = tpu.memref_slice %arg6[%dma_start3A_511, %dma_start3A_512, %dma_start3A_513] : memref<13x128x16xf32, #tpu.memory_space<vmem>> -> memref<1x128x16xf32, #tpu.memory_space<vmem>>
      %dma_start3A_515 = tpu.memref_squeeze %dma_start3A_514 : memref<1x128x16xf32, #tpu.memory_space<vmem>> -> memref<128x16xf32, #tpu.memory_space<vmem>>
      %dma_start3A_516 = arith.constant 0 : i32
      %dma_start3A_517 = tpu.memref_slice %arg4[%mul3A_510, %dma_start3A_516] : memref<1331200x16xf32, #tpu.memory_space<hbm>> -> memref<128x16xf32, #tpu.memory_space<hbm>>
      %dma_start3A_518 = arith.constant 0 : i32
      %dma_start3A_519 = tpu.memref_slice %arg4[%mul3A_510, %dma_start3A_518] : memref<1331200x16xf32, #tpu.memory_space<hbm>> -> memref<128x16xf32, #tpu.memory_space<hbm>>
      %dma_start3A_520 = arith.constant 0 : i32
      %dma_start3A_521 = arith.constant 0 : i32
      %dma_start3A_522 = tpu.memref_slice %arg6[%dma_start3A_511, %dma_start3A_520, %dma_start3A_521] : memref<13x128x16xf32, #tpu.memory_space<vmem>> -> memref<1x128x16xf32, #tpu.memory_space<vmem>>
      %dma_start3A_523 = tpu.memref_squeeze %dma_start3A_522 : memref<1x128x16xf32, #tpu.memory_space<vmem>> -> memref<128x16xf32, #tpu.memory_space<vmem>>
      tpu.enqueue_dma source(%dma_start3A_523 : memref<128x16xf32, #tpu.memory_space<vmem>>) target(%dma_start3A_519 : memref<128x16xf32, #tpu.memory_space<hbm>>) target_semaphore(%arg26 : memref<!tpu.dma_semaphore, #tpu.memory_space<semaphore_mem>>)
      %lt3A_524 = arith.constant 325 : i32
      %lt3A_525 = arith.cmpi slt, %add3A_492, %lt3A_524 : i32
      %convert_element_type3A_526 = arith.extui %lt3A_525 : i1 to i32
      %cond3A_527 = arith.constant 0 : i32
      %cond3A_528 = arith.cmpi ne, %convert_element_type3A_526, %cond3A_527 : i32
      scf.if %cond3A_528 {
        %sub3A = arith.constant 13 : i32
        %sub3A_809 = arith.subi %add3A_492, %sub3A : i32
        %ge3A = arith.constant 0 : i32
        %ge3A_810 = arith.cmpi sge, %sub3A_809, %ge3A : i32
        %convert_element_type3A_811 = arith.extui %ge3A_810 : i1 to i32
        %cond3A_812 = arith.constant 0 : i32
        %cond3A_813 = arith.cmpi ne, %convert_element_type3A_811, %cond3A_812 : i32
        scf.if %cond3A_813 {
          %dma_wait3A_825 = arith.constant 12 : i32
          %dma_wait3A_826 = arith.constant 0 : i32
          %dma_wait3A_827 = arith.constant 0 : i32
          %dma_wait3A_828 = tpu.memref_slice %arg6[%dma_wait3A_825, %dma_wait3A_826, %dma_wait3A_827] : memref<13x128x16xf32, #tpu.memory_space<vmem>> -> memref<1x128x16xf32, #tpu.memory_space<vmem>>
          %dma_wait3A_829 = tpu.memref_squeeze %dma_wait3A_828 : memref<1x128x16xf32, #tpu.memory_space<vmem>> -> memref<128x16xf32, #tpu.memory_space<vmem>>
          %dma_wait3A_830 = arith.constant 0 : i32
          %dma_wait3A_831 = arith.constant 0 : i32
          %dma_wait3A_832 = tpu.memref_slice %arg4[%dma_wait3A_830, %dma_wait3A_831] : memref<1331200x16xf32, #tpu.memory_space<hbm>> -> memref<128x16xf32, #tpu.memory_space<hbm>>
          %dma_wait3A_833 = arith.constant 0 : i32
          %dma_wait3A_834 = arith.constant 0 : i32
          %dma_wait3A_835 = tpu.memref_slice %arg4[%dma_wait3A_833, %dma_wait3A_834] : memref<1331200x16xf32, #tpu.memory_space<hbm>> -> memref<128x16xf32, #tpu.memory_space<hbm>>
          %dma_wait3A_836 = arith.constant 0 : i32
          %dma_wait3A_837 = arith.constant 0 : i32
          %dma_wait3A_838 = tpu.memref_slice %arg6[%dma_wait3A_825, %dma_wait3A_836, %dma_wait3A_837] : memref<13x128x16xf32, #tpu.memory_space<vmem>> -> memref<1x128x16xf32, #tpu.memory_space<vmem>>
          %dma_wait3A_839 = tpu.memref_squeeze %dma_wait3A_838 : memref<1x128x16xf32, #tpu.memory_space<vmem>> -> memref<128x16xf32, #tpu.memory_space<vmem>>
          tpu.wait_dma2 semaphore(%arg33 : memref<!tpu.dma_semaphore, #tpu.memory_space<semaphore_mem>>) src(%dma_wait3A_839 : memref<128x16xf32, #tpu.memory_space<vmem>>) dst(%dma_wait3A_835 : memref<128x16xf32, #tpu.memory_space<hbm>>)
        } else {
        }
        %dma_start3A_814 = arith.constant 12 : i32
        %dma_start3A_815 = arith.constant 0 : i32
        %dma_start3A_816 = arith.constant 0 : i32
        %dma_start3A_817 = tpu.memref_slice %arg6[%dma_start3A_814, %dma_start3A_815, %dma_start3A_816] : memref<13x128x16xf32, #tpu.memory_space<vmem>> -> memref<1x128x16xf32, #tpu.memory_space<vmem>>
        %dma_start3A_818 = tpu.memref_squeeze %dma_start3A_817 : memref<1x128x16xf32, #tpu.memory_space<vmem>> -> memref<128x16xf32, #tpu.memory_space<vmem>>
        %dma_start3A_819 = arith.constant 0 : i32
        %dma_start3A_820 = tpu.memref_slice %arg5[%add3A_492, %dma_start3A_819] : memref<325x128xi32, #tpu.memory_space<vmem>> -> memref<1x128xi32, #tpu.memory_space<vmem>>
        %dma_start3A_821 = tpu.memref_squeeze %dma_start3A_820 : memref<1x128xi32, #tpu.memory_space<vmem>> -> memref<128xi32, #tpu.memory_space<vmem>>
        %dma_start3A_822 = arith.constant 0 : i32
        %dma_start3A_823 = arith.constant 0 : i32
        %dma_start3A_824 = tpu.memref_slice %arg7[%dma_start3A_822, %dma_start3A_823] : memref<26000x16xf32, #tpu.memory_space<vmem_shared>> -> memref<26000x16xf32, #tpu.memory_space<vmem_shared>>
        tpu.enqueue_indirect_dma source(%dma_start3A_824 : memref<26000x16xf32, #tpu.memory_space<vmem_shared>>) target(%dma_start3A_818 : memref<128x16xf32, #tpu.memory_space<vmem>>) offsets(%dma_start3A_821 : memref<128xi32, #tpu.memory_space<vmem>>) semaphore(%arg20 : memref<!tpu.dma_semaphore, #tpu.memory_space<semaphore_mem>>)
      } else {
      }
      %add3A_529 = arith.constant 6 : i32
      %add3A_530 = arith.addi %mul3A_291, %add3A_529 : i32
      %add3A_531 = arith.constant 7 : i32
      %add3A_532 = arith.addi %add3A_530, %add3A_531 : i32
      %dma_wait3A_533 = arith.constant 6 : i32
      %dma_wait3A_534 = arith.constant 0 : i32
      %dma_wait3A_535 = arith.constant 0 : i32
      %dma_wait3A_536 = tpu.memref_slice %arg6[%dma_wait3A_533, %dma_wait3A_534, %dma_wait3A_535] : memref<13x128x16xf32, #tpu.memory_space<vmem>> -> memref<1x128x16xf32, #tpu.memory_space<vmem>>
      %dma_wait3A_537 = tpu.memref_squeeze %dma_wait3A_536 : memref<1x128x16xf32, #tpu.memory_space<vmem>> -> memref<128x16xf32, #tpu.memory_space<vmem>>
      %dma_wait3A_538 = arith.constant 0 : i32
      %dma_wait3A_539 = arith.constant 0 : i32
      %dma_wait3A_540 = tpu.memref_slice %arg4[%dma_wait3A_538, %dma_wait3A_539] : memref<1331200x16xf32, #tpu.memory_space<hbm>> -> memref<128x16xf32, #tpu.memory_space<hbm>>
      %dma_wait3A_541 = arith.constant 0 : i32
      %dma_wait3A_542 = arith.constant 0 : i32
      %dma_wait3A_543 = tpu.memref_slice %arg6[%dma_wait3A_533, %dma_wait3A_541, %dma_wait3A_542] : memref<13x128x16xf32, #tpu.memory_space<vmem>> -> memref<1x128x16xf32, #tpu.memory_space<vmem>>
      %dma_wait3A_544 = tpu.memref_squeeze %dma_wait3A_543 : memref<1x128x16xf32, #tpu.memory_space<vmem>> -> memref<128x16xf32, #tpu.memory_space<vmem>>
      %dma_wait3A_545 = arith.constant 0 : i32
      %dma_wait3A_546 = arith.constant 0 : i32
      %dma_wait3A_547 = tpu.memref_slice %arg4[%dma_wait3A_545, %dma_wait3A_546] : memref<1331200x16xf32, #tpu.memory_space<hbm>> -> memref<128x16xf32, #tpu.memory_space<hbm>>
      tpu.wait_dma2 semaphore(%arg14 : memref<!tpu.dma_semaphore, #tpu.memory_space<semaphore_mem>>) src(%dma_wait3A_547 : memref<128x16xf32, #tpu.memory_space<hbm>>) dst(%dma_wait3A_544 : memref<128x16xf32, #tpu.memory_space<vmem>>)
      %add3A_548 = arith.addi %mul3A_6, %add3A_530 : i32
      %mul3A_549 = arith.constant 128 : i32
      %mul3A_550 = arith.muli %add3A_548, %mul3A_549 : i32
      %dma_start3A_551 = arith.constant 6 : i32
      %dma_start3A_552 = arith.constant 0 : i32
      %dma_start3A_553 = arith.constant 0 : i32
      %dma_start3A_554 = tpu.memref_slice %arg6[%dma_start3A_551, %dma_start3A_552, %dma_start3A_553] : memref<13x128x16xf32, #tpu.memory_space<vmem>> -> memref<1x128x16xf32, #tpu.memory_space<vmem>>
      %dma_start3A_555 = tpu.memref_squeeze %dma_start3A_554 : memref<1x128x16xf32, #tpu.memory_space<vmem>> -> memref<128x16xf32, #tpu.memory_space<vmem>>
      %dma_start3A_556 = arith.constant 0 : i32
      %dma_start3A_557 = tpu.memref_slice %arg4[%mul3A_550, %dma_start3A_556] : memref<1331200x16xf32, #tpu.memory_space<hbm>> -> memref<128x16xf32, #tpu.memory_space<hbm>>
      %dma_start3A_558 = arith.constant 0 : i32
      %dma_start3A_559 = tpu.memref_slice %arg4[%mul3A_550, %dma_start3A_558] : memref<1331200x16xf32, #tpu.memory_space<hbm>> -> memref<128x16xf32, #tpu.memory_space<hbm>>
      %dma_start3A_560 = arith.constant 0 : i32
      %dma_start3A_561 = arith.constant 0 : i32
      %dma_start3A_562 = tpu.memref_slice %arg6[%dma_start3A_551, %dma_start3A_560, %dma_start3A_561] : memref<13x128x16xf32, #tpu.memory_space<vmem>> -> memref<1x128x16xf32, #tpu.memory_space<vmem>>
      %dma_start3A_563 = tpu.memref_squeeze %dma_start3A_562 : memref<1x128x16xf32, #tpu.memory_space<vmem>> -> memref<128x16xf32, #tpu.memory_space<vmem>>
      tpu.enqueue_dma source(%dma_start3A_563 : memref<128x16xf32, #tpu.memory_space<vmem>>) target(%dma_start3A_559 : memref<128x16xf32, #tpu.memory_space<hbm>>) target_semaphore(%arg27 : memref<!tpu.dma_semaphore, #tpu.memory_space<semaphore_mem>>)
      %lt3A_564 = arith.constant 325 : i32
      %lt3A_565 = arith.cmpi slt, %add3A_532, %lt3A_564 : i32
      %convert_element_type3A_566 = arith.extui %lt3A_565 : i1 to i32
      %cond3A_567 = arith.constant 0 : i32
      %cond3A_568 = arith.cmpi ne, %convert_element_type3A_566, %cond3A_567 : i32
      scf.if %cond3A_568 {
        %sub3A = arith.constant 13 : i32
        %sub3A_809 = arith.subi %add3A_532, %sub3A : i32
        %ge3A = arith.constant 0 : i32
        %ge3A_810 = arith.cmpi sge, %sub3A_809, %ge3A : i32
        %convert_element_type3A_811 = arith.extui %ge3A_810 : i1 to i32
        %cond3A_812 = arith.constant 0 : i32
        %cond3A_813 = arith.cmpi ne, %convert_element_type3A_811, %cond3A_812 : i32
        scf.if %cond3A_813 {
          %dma_wait3A_825 = arith.constant 0 : i32
          %dma_wait3A_826 = arith.constant 0 : i32
          %dma_wait3A_827 = arith.constant 0 : i32
          %dma_wait3A_828 = tpu.memref_slice %arg6[%dma_wait3A_825, %dma_wait3A_826, %dma_wait3A_827] : memref<13x128x16xf32, #tpu.memory_space<vmem>> -> memref<1x128x16xf32, #tpu.memory_space<vmem>>
          %dma_wait3A_829 = tpu.memref_squeeze %dma_wait3A_828 : memref<1x128x16xf32, #tpu.memory_space<vmem>> -> memref<128x16xf32, #tpu.memory_space<vmem>>
          %dma_wait3A_830 = arith.constant 0 : i32
          %dma_wait3A_831 = arith.constant 0 : i32
          %dma_wait3A_832 = tpu.memref_slice %arg4[%dma_wait3A_830, %dma_wait3A_831] : memref<1331200x16xf32, #tpu.memory_space<hbm>> -> memref<128x16xf32, #tpu.memory_space<hbm>>
          %dma_wait3A_833 = arith.constant 0 : i32
          %dma_wait3A_834 = arith.constant 0 : i32
          %dma_wait3A_835 = tpu.memref_slice %arg4[%dma_wait3A_833, %dma_wait3A_834] : memref<1331200x16xf32, #tpu.memory_space<hbm>> -> memref<128x16xf32, #tpu.memory_space<hbm>>
          %dma_wait3A_836 = arith.constant 0 : i32
          %dma_wait3A_837 = arith.constant 0 : i32
          %dma_wait3A_838 = tpu.memref_slice %arg6[%dma_wait3A_825, %dma_wait3A_836, %dma_wait3A_837] : memref<13x128x16xf32, #tpu.memory_space<vmem>> -> memref<1x128x16xf32, #tpu.memory_space<vmem>>
          %dma_wait3A_839 = tpu.memref_squeeze %dma_wait3A_838 : memref<1x128x16xf32, #tpu.memory_space<vmem>> -> memref<128x16xf32, #tpu.memory_space<vmem>>
          tpu.wait_dma2 semaphore(%arg21 : memref<!tpu.dma_semaphore, #tpu.memory_space<semaphore_mem>>) src(%dma_wait3A_839 : memref<128x16xf32, #tpu.memory_space<vmem>>) dst(%dma_wait3A_835 : memref<128x16xf32, #tpu.memory_space<hbm>>)
        } else {
        }
        %dma_start3A_814 = arith.constant 0 : i32
        %dma_start3A_815 = arith.constant 0 : i32
        %dma_start3A_816 = arith.constant 0 : i32
        %dma_start3A_817 = tpu.memref_slice %arg6[%dma_start3A_814, %dma_start3A_815, %dma_start3A_816] : memref<13x128x16xf32, #tpu.memory_space<vmem>> -> memref<1x128x16xf32, #tpu.memory_space<vmem>>
        %dma_start3A_818 = tpu.memref_squeeze %dma_start3A_817 : memref<1x128x16xf32, #tpu.memory_space<vmem>> -> memref<128x16xf32, #tpu.memory_space<vmem>>
        %dma_start3A_819 = arith.constant 0 : i32
        %dma_start3A_820 = tpu.memref_slice %arg5[%add3A_532, %dma_start3A_819] : memref<325x128xi32, #tpu.memory_space<vmem>> -> memref<1x128xi32, #tpu.memory_space<vmem>>
        %dma_start3A_821 = tpu.memref_squeeze %dma_start3A_820 : memref<1x128xi32, #tpu.memory_space<vmem>> -> memref<128xi32, #tpu.memory_space<vmem>>
        %dma_start3A_822 = arith.constant 0 : i32
        %dma_start3A_823 = arith.constant 0 : i32
        %dma_start3A_824 = tpu.memref_slice %arg7[%dma_start3A_822, %dma_start3A_823] : memref<26000x16xf32, #tpu.memory_space<vmem_shared>> -> memref<26000x16xf32, #tpu.memory_space<vmem_shared>>
        tpu.enqueue_indirect_dma source(%dma_start3A_824 : memref<26000x16xf32, #tpu.memory_space<vmem_shared>>) target(%dma_start3A_818 : memref<128x16xf32, #tpu.memory_space<vmem>>) offsets(%dma_start3A_821 : memref<128xi32, #tpu.memory_space<vmem>>) semaphore(%arg8 : memref<!tpu.dma_semaphore, #tpu.memory_space<semaphore_mem>>)
      } else {
      }
      %add3A_569 = arith.constant 7 : i32
      %add3A_570 = arith.addi %mul3A_291, %add3A_569 : i32
      %add3A_571 = arith.constant 7 : i32
      %add3A_572 = arith.addi %add3A_570, %add3A_571 : i32
      %dma_wait3A_573 = arith.constant 7 : i32
      %dma_wait3A_574 = arith.constant 0 : i32
      %dma_wait3A_575 = arith.constant 0 : i32
      %dma_wait3A_576 = tpu.memref_slice %arg6[%dma_wait3A_573, %dma_wait3A_574, %dma_wait3A_575] : memref<13x128x16xf32, #tpu.memory_space<vmem>> -> memref<1x128x16xf32, #tpu.memory_space<vmem>>
      %dma_wait3A_577 = tpu.memref_squeeze %dma_wait3A_576 : memref<1x128x16xf32, #tpu.memory_space<vmem>> -> memref<128x16xf32, #tpu.memory_space<vmem>>
      %dma_wait3A_578 = arith.constant 0 : i32
      %dma_wait3A_579 = arith.constant 0 : i32
      %dma_wait3A_580 = tpu.memref_slice %arg4[%dma_wait3A_578, %dma_wait3A_579] : memref<1331200x16xf32, #tpu.memory_space<hbm>> -> memref<128x16xf32, #tpu.memory_space<hbm>>
      %dma_wait3A_581 = arith.constant 0 : i32
      %dma_wait3A_582 = arith.constant 0 : i32
      %dma_wait3A_583 = tpu.memref_slice %arg6[%dma_wait3A_573, %dma_wait3A_581, %dma_wait3A_582] : memref<13x128x16xf32, #tpu.memory_space<vmem>> -> memref<1x128x16xf32, #tpu.memory_space<vmem>>
      %dma_wait3A_584 = tpu.memref_squeeze %dma_wait3A_583 : memref<1x128x16xf32, #tpu.memory_space<vmem>> -> memref<128x16xf32, #tpu.memory_space<vmem>>
      %dma_wait3A_585 = arith.constant 0 : i32
      %dma_wait3A_586 = arith.constant 0 : i32
      %dma_wait3A_587 = tpu.memref_slice %arg4[%dma_wait3A_585, %dma_wait3A_586] : memref<1331200x16xf32, #tpu.memory_space<hbm>> -> memref<128x16xf32, #tpu.memory_space<hbm>>
      tpu.wait_dma2 semaphore(%arg15 : memref<!tpu.dma_semaphore, #tpu.memory_space<semaphore_mem>>) src(%dma_wait3A_587 : memref<128x16xf32, #tpu.memory_space<hbm>>) dst(%dma_wait3A_584 : memref<128x16xf32, #tpu.memory_space<vmem>>)
      %add3A_588 = arith.addi %mul3A_6, %add3A_570 : i32
      %mul3A_589 = arith.constant 128 : i32
      %mul3A_590 = arith.muli %add3A_588, %mul3A_589 : i32
      %dma_start3A_591 = arith.constant 7 : i32
      %dma_start3A_592 = arith.constant 0 : i32
      %dma_start3A_593 = arith.constant 0 : i32
      %dma_start3A_594 = tpu.memref_slice %arg6[%dma_start3A_591, %dma_start3A_592, %dma_start3A_593] : memref<13x128x16xf32, #tpu.memory_space<vmem>> -> memref<1x128x16xf32, #tpu.memory_space<vmem>>
      %dma_start3A_595 = tpu.memref_squeeze %dma_start3A_594 : memref<1x128x16xf32, #tpu.memory_space<vmem>> -> memref<128x16xf32, #tpu.memory_space<vmem>>
      %dma_start3A_596 = arith.constant 0 : i32
      %dma_start3A_597 = tpu.memref_slice %arg4[%mul3A_590, %dma_start3A_596] : memref<1331200x16xf32, #tpu.memory_space<hbm>> -> memref<128x16xf32, #tpu.memory_space<hbm>>
      %dma_start3A_598 = arith.constant 0 : i32
      %dma_start3A_599 = tpu.memref_slice %arg4[%mul3A_590, %dma_start3A_598] : memref<1331200x16xf32, #tpu.memory_space<hbm>> -> memref<128x16xf32, #tpu.memory_space<hbm>>
      %dma_start3A_600 = arith.constant 0 : i32
      %dma_start3A_601 = arith.constant 0 : i32
      %dma_start3A_602 = tpu.memref_slice %arg6[%dma_start3A_591, %dma_start3A_600, %dma_start3A_601] : memref<13x128x16xf32, #tpu.memory_space<vmem>> -> memref<1x128x16xf32, #tpu.memory_space<vmem>>
      %dma_start3A_603 = tpu.memref_squeeze %dma_start3A_602 : memref<1x128x16xf32, #tpu.memory_space<vmem>> -> memref<128x16xf32, #tpu.memory_space<vmem>>
      tpu.enqueue_dma source(%dma_start3A_603 : memref<128x16xf32, #tpu.memory_space<vmem>>) target(%dma_start3A_599 : memref<128x16xf32, #tpu.memory_space<hbm>>) target_semaphore(%arg28 : memref<!tpu.dma_semaphore, #tpu.memory_space<semaphore_mem>>)
      %lt3A_604 = arith.constant 325 : i32
      %lt3A_605 = arith.cmpi slt, %add3A_572, %lt3A_604 : i32
      %convert_element_type3A_606 = arith.extui %lt3A_605 : i1 to i32
      %cond3A_607 = arith.constant 0 : i32
      %cond3A_608 = arith.cmpi ne, %convert_element_type3A_606, %cond3A_607 : i32
      scf.if %cond3A_608 {
        %sub3A = arith.constant 13 : i32
        %sub3A_809 = arith.subi %add3A_572, %sub3A : i32
        %ge3A = arith.constant 0 : i32
        %ge3A_810 = arith.cmpi sge, %sub3A_809, %ge3A : i32
        %convert_element_type3A_811 = arith.extui %ge3A_810 : i1 to i32
        %cond3A_812 = arith.constant 0 : i32
        %cond3A_813 = arith.cmpi ne, %convert_element_type3A_811, %cond3A_812 : i32
        scf.if %cond3A_813 {
          %dma_wait3A_825 = arith.constant 1 : i32
          %dma_wait3A_826 = arith.constant 0 : i32
          %dma_wait3A_827 = arith.constant 0 : i32
          %dma_wait3A_828 = tpu.memref_slice %arg6[%dma_wait3A_825, %dma_wait3A_826, %dma_wait3A_827] : memref<13x128x16xf32, #tpu.memory_space<vmem>> -> memref<1x128x16xf32, #tpu.memory_space<vmem>>
          %dma_wait3A_829 = tpu.memref_squeeze %dma_wait3A_828 : memref<1x128x16xf32, #tpu.memory_space<vmem>> -> memref<128x16xf32, #tpu.memory_space<vmem>>
          %dma_wait3A_830 = arith.constant 0 : i32
          %dma_wait3A_831 = arith.constant 0 : i32
          %dma_wait3A_832 = tpu.memref_slice %arg4[%dma_wait3A_830, %dma_wait3A_831] : memref<1331200x16xf32, #tpu.memory_space<hbm>> -> memref<128x16xf32, #tpu.memory_space<hbm>>
          %dma_wait3A_833 = arith.constant 0 : i32
          %dma_wait3A_834 = arith.constant 0 : i32
          %dma_wait3A_835 = tpu.memref_slice %arg4[%dma_wait3A_833, %dma_wait3A_834] : memref<1331200x16xf32, #tpu.memory_space<hbm>> -> memref<128x16xf32, #tpu.memory_space<hbm>>
          %dma_wait3A_836 = arith.constant 0 : i32
          %dma_wait3A_837 = arith.constant 0 : i32
          %dma_wait3A_838 = tpu.memref_slice %arg6[%dma_wait3A_825, %dma_wait3A_836, %dma_wait3A_837] : memref<13x128x16xf32, #tpu.memory_space<vmem>> -> memref<1x128x16xf32, #tpu.memory_space<vmem>>
          %dma_wait3A_839 = tpu.memref_squeeze %dma_wait3A_838 : memref<1x128x16xf32, #tpu.memory_space<vmem>> -> memref<128x16xf32, #tpu.memory_space<vmem>>
          tpu.wait_dma2 semaphore(%arg22 : memref<!tpu.dma_semaphore, #tpu.memory_space<semaphore_mem>>) src(%dma_wait3A_839 : memref<128x16xf32, #tpu.memory_space<vmem>>) dst(%dma_wait3A_835 : memref<128x16xf32, #tpu.memory_space<hbm>>)
        } else {
        }
        %dma_start3A_814 = arith.constant 1 : i32
        %dma_start3A_815 = arith.constant 0 : i32
        %dma_start3A_816 = arith.constant 0 : i32
        %dma_start3A_817 = tpu.memref_slice %arg6[%dma_start3A_814, %dma_start3A_815, %dma_start3A_816] : memref<13x128x16xf32, #tpu.memory_space<vmem>> -> memref<1x128x16xf32, #tpu.memory_space<vmem>>
        %dma_start3A_818 = tpu.memref_squeeze %dma_start3A_817 : memref<1x128x16xf32, #tpu.memory_space<vmem>> -> memref<128x16xf32, #tpu.memory_space<vmem>>
        %dma_start3A_819 = arith.constant 0 : i32
        %dma_start3A_820 = tpu.memref_slice %arg5[%add3A_572, %dma_start3A_819] : memref<325x128xi32, #tpu.memory_space<vmem>> -> memref<1x128xi32, #tpu.memory_space<vmem>>
        %dma_start3A_821 = tpu.memref_squeeze %dma_start3A_820 : memref<1x128xi32, #tpu.memory_space<vmem>> -> memref<128xi32, #tpu.memory_space<vmem>>
        %dma_start3A_822 = arith.constant 0 : i32
        %dma_start3A_823 = arith.constant 0 : i32
        %dma_start3A_824 = tpu.memref_slice %arg7[%dma_start3A_822, %dma_start3A_823] : memref<26000x16xf32, #tpu.memory_space<vmem_shared>> -> memref<26000x16xf32, #tpu.memory_space<vmem_shared>>
        tpu.enqueue_indirect_dma source(%dma_start3A_824 : memref<26000x16xf32, #tpu.memory_space<vmem_shared>>) target(%dma_start3A_818 : memref<128x16xf32, #tpu.memory_space<vmem>>) offsets(%dma_start3A_821 : memref<128xi32, #tpu.memory_space<vmem>>) semaphore(%arg9 : memref<!tpu.dma_semaphore, #tpu.memory_space<semaphore_mem>>)
      } else {
      }
      %add3A_609 = arith.constant 8 : i32
      %add3A_610 = arith.addi %mul3A_291, %add3A_609 : i32
      %add3A_611 = arith.constant 7 : i32
      %add3A_612 = arith.addi %add3A_610, %add3A_611 : i32
      %dma_wait3A_613 = arith.constant 8 : i32
      %dma_wait3A_614 = arith.constant 0 : i32
      %dma_wait3A_615 = arith.constant 0 : i32
      %dma_wait3A_616 = tpu.memref_slice %arg6[%dma_wait3A_613, %dma_wait3A_614, %dma_wait3A_615] : memref<13x128x16xf32, #tpu.memory_space<vmem>> -> memref<1x128x16xf32, #tpu.memory_space<vmem>>
      %dma_wait3A_617 = tpu.memref_squeeze %dma_wait3A_616 : memref<1x128x16xf32, #tpu.memory_space<vmem>> -> memref<128x16xf32, #tpu.memory_space<vmem>>
      %dma_wait3A_618 = arith.constant 0 : i32
      %dma_wait3A_619 = arith.constant 0 : i32
      %dma_wait3A_620 = tpu.memref_slice %arg4[%dma_wait3A_618, %dma_wait3A_619] : memref<1331200x16xf32, #tpu.memory_space<hbm>> -> memref<128x16xf32, #tpu.memory_space<hbm>>
      %dma_wait3A_621 = arith.constant 0 : i32
      %dma_wait3A_622 = arith.constant 0 : i32
      %dma_wait3A_623 = tpu.memref_slice %arg6[%dma_wait3A_613, %dma_wait3A_621, %dma_wait3A_622] : memref<13x128x16xf32, #tpu.memory_space<vmem>> -> memref<1x128x16xf32, #tpu.memory_space<vmem>>
      %dma_wait3A_624 = tpu.memref_squeeze %dma_wait3A_623 : memref<1x128x16xf32, #tpu.memory_space<vmem>> -> memref<128x16xf32, #tpu.memory_space<vmem>>
      %dma_wait3A_625 = arith.constant 0 : i32
      %dma_wait3A_626 = arith.constant 0 : i32
      %dma_wait3A_627 = tpu.memref_slice %arg4[%dma_wait3A_625, %dma_wait3A_626] : memref<1331200x16xf32, #tpu.memory_space<hbm>> -> memref<128x16xf32, #tpu.memory_space<hbm>>
      tpu.wait_dma2 semaphore(%arg16 : memref<!tpu.dma_semaphore, #tpu.memory_space<semaphore_mem>>) src(%dma_wait3A_627 : memref<128x16xf32, #tpu.memory_space<hbm>>) dst(%dma_wait3A_624 : memref<128x16xf32, #tpu.memory_space<vmem>>)
      %add3A_628 = arith.addi %mul3A_6, %add3A_610 : i32
      %mul3A_629 = arith.constant 128 : i32
      %mul3A_630 = arith.muli %add3A_628, %mul3A_629 : i32
      %dma_start3A_631 = arith.constant 8 : i32
      %dma_start3A_632 = arith.constant 0 : i32
      %dma_start3A_633 = arith.constant 0 : i32
      %dma_start3A_634 = tpu.memref_slice %arg6[%dma_start3A_631, %dma_start3A_632, %dma_start3A_633] : memref<13x128x16xf32, #tpu.memory_space<vmem>> -> memref<1x128x16xf32, #tpu.memory_space<vmem>>
      %dma_start3A_635 = tpu.memref_squeeze %dma_start3A_634 : memref<1x128x16xf32, #tpu.memory_space<vmem>> -> memref<128x16xf32, #tpu.memory_space<vmem>>
      %dma_start3A_636 = arith.constant 0 : i32
      %dma_start3A_637 = tpu.memref_slice %arg4[%mul3A_630, %dma_start3A_636] : memref<1331200x16xf32, #tpu.memory_space<hbm>> -> memref<128x16xf32, #tpu.memory_space<hbm>>
      %dma_start3A_638 = arith.constant 0 : i32
      %dma_start3A_639 = tpu.memref_slice %arg4[%mul3A_630, %dma_start3A_638] : memref<1331200x16xf32, #tpu.memory_space<hbm>> -> memref<128x16xf32, #tpu.memory_space<hbm>>
      %dma_start3A_640 = arith.constant 0 : i32
      %dma_start3A_641 = arith.constant 0 : i32
      %dma_start3A_642 = tpu.memref_slice %arg6[%dma_start3A_631, %dma_start3A_640, %dma_start3A_641] : memref<13x128x16xf32, #tpu.memory_space<vmem>> -> memref<1x128x16xf32, #tpu.memory_space<vmem>>
      %dma_start3A_643 = tpu.memref_squeeze %dma_start3A_642 : memref<1x128x16xf32, #tpu.memory_space<vmem>> -> memref<128x16xf32, #tpu.memory_space<vmem>>
      tpu.enqueue_dma source(%dma_start3A_643 : memref<128x16xf32, #tpu.memory_space<vmem>>) target(%dma_start3A_639 : memref<128x16xf32, #tpu.memory_space<hbm>>) target_semaphore(%arg29 : memref<!tpu.dma_semaphore, #tpu.memory_space<semaphore_mem>>)
      %lt3A_644 = arith.constant 325 : i32
      %lt3A_645 = arith.cmpi slt, %add3A_612, %lt3A_644 : i32
      %convert_element_type3A_646 = arith.extui %lt3A_645 : i1 to i32
      %cond3A_647 = arith.constant 0 : i32
      %cond3A_648 = arith.cmpi ne, %convert_element_type3A_646, %cond3A_647 : i32
      scf.if %cond3A_648 {
        %sub3A = arith.constant 13 : i32
        %sub3A_809 = arith.subi %add3A_612, %sub3A : i32
        %ge3A = arith.constant 0 : i32
        %ge3A_810 = arith.cmpi sge, %sub3A_809, %ge3A : i32
        %convert_element_type3A_811 = arith.extui %ge3A_810 : i1 to i32
        %cond3A_812 = arith.constant 0 : i32
        %cond3A_813 = arith.cmpi ne, %convert_element_type3A_811, %cond3A_812 : i32
        scf.if %cond3A_813 {
          %dma_wait3A_825 = arith.constant 2 : i32
          %dma_wait3A_826 = arith.constant 0 : i32
          %dma_wait3A_827 = arith.constant 0 : i32
          %dma_wait3A_828 = tpu.memref_slice %arg6[%dma_wait3A_825, %dma_wait3A_826, %dma_wait3A_827] : memref<13x128x16xf32, #tpu.memory_space<vmem>> -> memref<1x128x16xf32, #tpu.memory_space<vmem>>
          %dma_wait3A_829 = tpu.memref_squeeze %dma_wait3A_828 : memref<1x128x16xf32, #tpu.memory_space<vmem>> -> memref<128x16xf32, #tpu.memory_space<vmem>>
          %dma_wait3A_830 = arith.constant 0 : i32
          %dma_wait3A_831 = arith.constant 0 : i32
          %dma_wait3A_832 = tpu.memref_slice %arg4[%dma_wait3A_830, %dma_wait3A_831] : memref<1331200x16xf32, #tpu.memory_space<hbm>> -> memref<128x16xf32, #tpu.memory_space<hbm>>
          %dma_wait3A_833 = arith.constant 0 : i32
          %dma_wait3A_834 = arith.constant 0 : i32
          %dma_wait3A_835 = tpu.memref_slice %arg4[%dma_wait3A_833, %dma_wait3A_834] : memref<1331200x16xf32, #tpu.memory_space<hbm>> -> memref<128x16xf32, #tpu.memory_space<hbm>>
          %dma_wait3A_836 = arith.constant 0 : i32
          %dma_wait3A_837 = arith.constant 0 : i32
          %dma_wait3A_838 = tpu.memref_slice %arg6[%dma_wait3A_825, %dma_wait3A_836, %dma_wait3A_837] : memref<13x128x16xf32, #tpu.memory_space<vmem>> -> memref<1x128x16xf32, #tpu.memory_space<vmem>>
          %dma_wait3A_839 = tpu.memref_squeeze %dma_wait3A_838 : memref<1x128x16xf32, #tpu.memory_space<vmem>> -> memref<128x16xf32, #tpu.memory_space<vmem>>
          tpu.wait_dma2 semaphore(%arg23 : memref<!tpu.dma_semaphore, #tpu.memory_space<semaphore_mem>>) src(%dma_wait3A_839 : memref<128x16xf32, #tpu.memory_space<vmem>>) dst(%dma_wait3A_835 : memref<128x16xf32, #tpu.memory_space<hbm>>)
        } else {
        }
        %dma_start3A_814 = arith.constant 2 : i32
        %dma_start3A_815 = arith.constant 0 : i32
        %dma_start3A_816 = arith.constant 0 : i32
        %dma_start3A_817 = tpu.memref_slice %arg6[%dma_start3A_814, %dma_start3A_815, %dma_start3A_816] : memref<13x128x16xf32, #tpu.memory_space<vmem>> -> memref<1x128x16xf32, #tpu.memory_space<vmem>>
        %dma_start3A_818 = tpu.memref_squeeze %dma_start3A_817 : memref<1x128x16xf32, #tpu.memory_space<vmem>> -> memref<128x16xf32, #tpu.memory_space<vmem>>
        %dma_start3A_819 = arith.constant 0 : i32
        %dma_start3A_820 = tpu.memref_slice %arg5[%add3A_612, %dma_start3A_819] : memref<325x128xi32, #tpu.memory_space<vmem>> -> memref<1x128xi32, #tpu.memory_space<vmem>>
        %dma_start3A_821 = tpu.memref_squeeze %dma_start3A_820 : memref<1x128xi32, #tpu.memory_space<vmem>> -> memref<128xi32, #tpu.memory_space<vmem>>
        %dma_start3A_822 = arith.constant 0 : i32
        %dma_start3A_823 = arith.constant 0 : i32
        %dma_start3A_824 = tpu.memref_slice %arg7[%dma_start3A_822, %dma_start3A_823] : memref<26000x16xf32, #tpu.memory_space<vmem_shared>> -> memref<26000x16xf32, #tpu.memory_space<vmem_shared>>
        tpu.enqueue_indirect_dma source(%dma_start3A_824 : memref<26000x16xf32, #tpu.memory_space<vmem_shared>>) target(%dma_start3A_818 : memref<128x16xf32, #tpu.memory_space<vmem>>) offsets(%dma_start3A_821 : memref<128xi32, #tpu.memory_space<vmem>>) semaphore(%arg10 : memref<!tpu.dma_semaphore, #tpu.memory_space<semaphore_mem>>)
      } else {
      }
      %add3A_649 = arith.constant 9 : i32
      %add3A_650 = arith.addi %mul3A_291, %add3A_649 : i32
      %add3A_651 = arith.constant 7 : i32
      %add3A_652 = arith.addi %add3A_650, %add3A_651 : i32
      %dma_wait3A_653 = arith.constant 9 : i32
      %dma_wait3A_654 = arith.constant 0 : i32
      %dma_wait3A_655 = arith.constant 0 : i32
      %dma_wait3A_656 = tpu.memref_slice %arg6[%dma_wait3A_653, %dma_wait3A_654, %dma_wait3A_655] : memref<13x128x16xf32, #tpu.memory_space<vmem>> -> memref<1x128x16xf32, #tpu.memory_space<vmem>>
      %dma_wait3A_657 = tpu.memref_squeeze %dma_wait3A_656 : memref<1x128x16xf32, #tpu.memory_space<vmem>> -> memref<128x16xf32, #tpu.memory_space<vmem>>
      %dma_wait3A_658 = arith.constant 0 : i32
      %dma_wait3A_659 = arith.constant 0 : i32
      %dma_wait3A_660 = tpu.memref_slice %arg4[%dma_wait3A_658, %dma_wait3A_659] : memref<1331200x16xf32, #tpu.memory_space<hbm>> -> memref<128x16xf32, #tpu.memory_space<hbm>>
      %dma_wait3A_661 = arith.constant 0 : i32
      %dma_wait3A_662 = arith.constant 0 : i32
      %dma_wait3A_663 = tpu.memref_slice %arg6[%dma_wait3A_653, %dma_wait3A_661, %dma_wait3A_662] : memref<13x128x16xf32, #tpu.memory_space<vmem>> -> memref<1x128x16xf32, #tpu.memory_space<vmem>>
      %dma_wait3A_664 = tpu.memref_squeeze %dma_wait3A_663 : memref<1x128x16xf32, #tpu.memory_space<vmem>> -> memref<128x16xf32, #tpu.memory_space<vmem>>
      %dma_wait3A_665 = arith.constant 0 : i32
      %dma_wait3A_666 = arith.constant 0 : i32
      %dma_wait3A_667 = tpu.memref_slice %arg4[%dma_wait3A_665, %dma_wait3A_666] : memref<1331200x16xf32, #tpu.memory_space<hbm>> -> memref<128x16xf32, #tpu.memory_space<hbm>>
      tpu.wait_dma2 semaphore(%arg17 : memref<!tpu.dma_semaphore, #tpu.memory_space<semaphore_mem>>) src(%dma_wait3A_667 : memref<128x16xf32, #tpu.memory_space<hbm>>) dst(%dma_wait3A_664 : memref<128x16xf32, #tpu.memory_space<vmem>>)
      %add3A_668 = arith.addi %mul3A_6, %add3A_650 : i32
      %mul3A_669 = arith.constant 128 : i32
      %mul3A_670 = arith.muli %add3A_668, %mul3A_669 : i32
      %dma_start3A_671 = arith.constant 9 : i32
      %dma_start3A_672 = arith.constant 0 : i32
      %dma_start3A_673 = arith.constant 0 : i32
      %dma_start3A_674 = tpu.memref_slice %arg6[%dma_start3A_671, %dma_start3A_672, %dma_start3A_673] : memref<13x128x16xf32, #tpu.memory_space<vmem>> -> memref<1x128x16xf32, #tpu.memory_space<vmem>>
      %dma_start3A_675 = tpu.memref_squeeze %dma_start3A_674 : memref<1x128x16xf32, #tpu.memory_space<vmem>> -> memref<128x16xf32, #tpu.memory_space<vmem>>
      %dma_start3A_676 = arith.constant 0 : i32
      %dma_start3A_677 = tpu.memref_slice %arg4[%mul3A_670, %dma_start3A_676] : memref<1331200x16xf32, #tpu.memory_space<hbm>> -> memref<128x16xf32, #tpu.memory_space<hbm>>
      %dma_start3A_678 = arith.constant 0 : i32
      %dma_start3A_679 = tpu.memref_slice %arg4[%mul3A_670, %dma_start3A_678] : memref<1331200x16xf32, #tpu.memory_space<hbm>> -> memref<128x16xf32, #tpu.memory_space<hbm>>
      %dma_start3A_680 = arith.constant 0 : i32
      %dma_start3A_681 = arith.constant 0 : i32
      %dma_start3A_682 = tpu.memref_slice %arg6[%dma_start3A_671, %dma_start3A_680, %dma_start3A_681] : memref<13x128x16xf32, #tpu.memory_space<vmem>> -> memref<1x128x16xf32, #tpu.memory_space<vmem>>
      %dma_start3A_683 = tpu.memref_squeeze %dma_start3A_682 : memref<1x128x16xf32, #tpu.memory_space<vmem>> -> memref<128x16xf32, #tpu.memory_space<vmem>>
      tpu.enqueue_dma source(%dma_start3A_683 : memref<128x16xf32, #tpu.memory_space<vmem>>) target(%dma_start3A_679 : memref<128x16xf32, #tpu.memory_space<hbm>>) target_semaphore(%arg30 : memref<!tpu.dma_semaphore, #tpu.memory_space<semaphore_mem>>)
      %lt3A_684 = arith.constant 325 : i32
      %lt3A_685 = arith.cmpi slt, %add3A_652, %lt3A_684 : i32
      %convert_element_type3A_686 = arith.extui %lt3A_685 : i1 to i32
      %cond3A_687 = arith.constant 0 : i32
      %cond3A_688 = arith.cmpi ne, %convert_element_type3A_686, %cond3A_687 : i32
      scf.if %cond3A_688 {
        %sub3A = arith.constant 13 : i32
        %sub3A_809 = arith.subi %add3A_652, %sub3A : i32
        %ge3A = arith.constant 0 : i32
        %ge3A_810 = arith.cmpi sge, %sub3A_809, %ge3A : i32
        %convert_element_type3A_811 = arith.extui %ge3A_810 : i1 to i32
        %cond3A_812 = arith.constant 0 : i32
        %cond3A_813 = arith.cmpi ne, %convert_element_type3A_811, %cond3A_812 : i32
        scf.if %cond3A_813 {
          %dma_wait3A_825 = arith.constant 3 : i32
          %dma_wait3A_826 = arith.constant 0 : i32
          %dma_wait3A_827 = arith.constant 0 : i32
          %dma_wait3A_828 = tpu.memref_slice %arg6[%dma_wait3A_825, %dma_wait3A_826, %dma_wait3A_827] : memref<13x128x16xf32, #tpu.memory_space<vmem>> -> memref<1x128x16xf32, #tpu.memory_space<vmem>>
          %dma_wait3A_829 = tpu.memref_squeeze %dma_wait3A_828 : memref<1x128x16xf32, #tpu.memory_space<vmem>> -> memref<128x16xf32, #tpu.memory_space<vmem>>
          %dma_wait3A_830 = arith.constant 0 : i32
          %dma_wait3A_831 = arith.constant 0 : i32
          %dma_wait3A_832 = tpu.memref_slice %arg4[%dma_wait3A_830, %dma_wait3A_831] : memref<1331200x16xf32, #tpu.memory_space<hbm>> -> memref<128x16xf32, #tpu.memory_space<hbm>>
          %dma_wait3A_833 = arith.constant 0 : i32
          %dma_wait3A_834 = arith.constant 0 : i32
          %dma_wait3A_835 = tpu.memref_slice %arg4[%dma_wait3A_833, %dma_wait3A_834] : memref<1331200x16xf32, #tpu.memory_space<hbm>> -> memref<128x16xf32, #tpu.memory_space<hbm>>
          %dma_wait3A_836 = arith.constant 0 : i32
          %dma_wait3A_837 = arith.constant 0 : i32
          %dma_wait3A_838 = tpu.memref_slice %arg6[%dma_wait3A_825, %dma_wait3A_836, %dma_wait3A_837] : memref<13x128x16xf32, #tpu.memory_space<vmem>> -> memref<1x128x16xf32, #tpu.memory_space<vmem>>
          %dma_wait3A_839 = tpu.memref_squeeze %dma_wait3A_838 : memref<1x128x16xf32, #tpu.memory_space<vmem>> -> memref<128x16xf32, #tpu.memory_space<vmem>>
          tpu.wait_dma2 semaphore(%arg24 : memref<!tpu.dma_semaphore, #tpu.memory_space<semaphore_mem>>) src(%dma_wait3A_839 : memref<128x16xf32, #tpu.memory_space<vmem>>) dst(%dma_wait3A_835 : memref<128x16xf32, #tpu.memory_space<hbm>>)
        } else {
        }
        %dma_start3A_814 = arith.constant 3 : i32
        %dma_start3A_815 = arith.constant 0 : i32
        %dma_start3A_816 = arith.constant 0 : i32
        %dma_start3A_817 = tpu.memref_slice %arg6[%dma_start3A_814, %dma_start3A_815, %dma_start3A_816] : memref<13x128x16xf32, #tpu.memory_space<vmem>> -> memref<1x128x16xf32, #tpu.memory_space<vmem>>
        %dma_start3A_818 = tpu.memref_squeeze %dma_start3A_817 : memref<1x128x16xf32, #tpu.memory_space<vmem>> -> memref<128x16xf32, #tpu.memory_space<vmem>>
        %dma_start3A_819 = arith.constant 0 : i32
        %dma_start3A_820 = tpu.memref_slice %arg5[%add3A_652, %dma_start3A_819] : memref<325x128xi32, #tpu.memory_space<vmem>> -> memref<1x128xi32, #tpu.memory_space<vmem>>
        %dma_start3A_821 = tpu.memref_squeeze %dma_start3A_820 : memref<1x128xi32, #tpu.memory_space<vmem>> -> memref<128xi32, #tpu.memory_space<vmem>>
        %dma_start3A_822 = arith.constant 0 : i32
        %dma_start3A_823 = arith.constant 0 : i32
        %dma_start3A_824 = tpu.memref_slice %arg7[%dma_start3A_822, %dma_start3A_823] : memref<26000x16xf32, #tpu.memory_space<vmem_shared>> -> memref<26000x16xf32, #tpu.memory_space<vmem_shared>>
        tpu.enqueue_indirect_dma source(%dma_start3A_824 : memref<26000x16xf32, #tpu.memory_space<vmem_shared>>) target(%dma_start3A_818 : memref<128x16xf32, #tpu.memory_space<vmem>>) offsets(%dma_start3A_821 : memref<128xi32, #tpu.memory_space<vmem>>) semaphore(%arg11 : memref<!tpu.dma_semaphore, #tpu.memory_space<semaphore_mem>>)
      } else {
      }
      %add3A_689 = arith.constant 10 : i32
      %add3A_690 = arith.addi %mul3A_291, %add3A_689 : i32
      %add3A_691 = arith.constant 7 : i32
      %add3A_692 = arith.addi %add3A_690, %add3A_691 : i32
      %dma_wait3A_693 = arith.constant 10 : i32
      %dma_wait3A_694 = arith.constant 0 : i32
      %dma_wait3A_695 = arith.constant 0 : i32
      %dma_wait3A_696 = tpu.memref_slice %arg6[%dma_wait3A_693, %dma_wait3A_694, %dma_wait3A_695] : memref<13x128x16xf32, #tpu.memory_space<vmem>> -> memref<1x128x16xf32, #tpu.memory_space<vmem>>
      %dma_wait3A_697 = tpu.memref_squeeze %dma_wait3A_696 : memref<1x128x16xf32, #tpu.memory_space<vmem>> -> memref<128x16xf32, #tpu.memory_space<vmem>>
      %dma_wait3A_698 = arith.constant 0 : i32
      %dma_wait3A_699 = arith.constant 0 : i32
      %dma_wait3A_700 = tpu.memref_slice %arg4[%dma_wait3A_698, %dma_wait3A_699] : memref<1331200x16xf32, #tpu.memory_space<hbm>> -> memref<128x16xf32, #tpu.memory_space<hbm>>
      %dma_wait3A_701 = arith.constant 0 : i32
      %dma_wait3A_702 = arith.constant 0 : i32
      %dma_wait3A_703 = tpu.memref_slice %arg6[%dma_wait3A_693, %dma_wait3A_701, %dma_wait3A_702] : memref<13x128x16xf32, #tpu.memory_space<vmem>> -> memref<1x128x16xf32, #tpu.memory_space<vmem>>
      %dma_wait3A_704 = tpu.memref_squeeze %dma_wait3A_703 : memref<1x128x16xf32, #tpu.memory_space<vmem>> -> memref<128x16xf32, #tpu.memory_space<vmem>>
      %dma_wait3A_705 = arith.constant 0 : i32
      %dma_wait3A_706 = arith.constant 0 : i32
      %dma_wait3A_707 = tpu.memref_slice %arg4[%dma_wait3A_705, %dma_wait3A_706] : memref<1331200x16xf32, #tpu.memory_space<hbm>> -> memref<128x16xf32, #tpu.memory_space<hbm>>
      tpu.wait_dma2 semaphore(%arg18 : memref<!tpu.dma_semaphore, #tpu.memory_space<semaphore_mem>>) src(%dma_wait3A_707 : memref<128x16xf32, #tpu.memory_space<hbm>>) dst(%dma_wait3A_704 : memref<128x16xf32, #tpu.memory_space<vmem>>)
      %add3A_708 = arith.addi %mul3A_6, %add3A_690 : i32
      %mul3A_709 = arith.constant 128 : i32
      %mul3A_710 = arith.muli %add3A_708, %mul3A_709 : i32
      %dma_start3A_711 = arith.constant 10 : i32
      %dma_start3A_712 = arith.constant 0 : i32
      %dma_start3A_713 = arith.constant 0 : i32
      %dma_start3A_714 = tpu.memref_slice %arg6[%dma_start3A_711, %dma_start3A_712, %dma_start3A_713] : memref<13x128x16xf32, #tpu.memory_space<vmem>> -> memref<1x128x16xf32, #tpu.memory_space<vmem>>
      %dma_start3A_715 = tpu.memref_squeeze %dma_start3A_714 : memref<1x128x16xf32, #tpu.memory_space<vmem>> -> memref<128x16xf32, #tpu.memory_space<vmem>>
      %dma_start3A_716 = arith.constant 0 : i32
      %dma_start3A_717 = tpu.memref_slice %arg4[%mul3A_710, %dma_start3A_716] : memref<1331200x16xf32, #tpu.memory_space<hbm>> -> memref<128x16xf32, #tpu.memory_space<hbm>>
      %dma_start3A_718 = arith.constant 0 : i32
      %dma_start3A_719 = tpu.memref_slice %arg4[%mul3A_710, %dma_start3A_718] : memref<1331200x16xf32, #tpu.memory_space<hbm>> -> memref<128x16xf32, #tpu.memory_space<hbm>>
      %dma_start3A_720 = arith.constant 0 : i32
      %dma_start3A_721 = arith.constant 0 : i32
      %dma_start3A_722 = tpu.memref_slice %arg6[%dma_start3A_711, %dma_start3A_720, %dma_start3A_721] : memref<13x128x16xf32, #tpu.memory_space<vmem>> -> memref<1x128x16xf32, #tpu.memory_space<vmem>>
      %dma_start3A_723 = tpu.memref_squeeze %dma_start3A_722 : memref<1x128x16xf32, #tpu.memory_space<vmem>> -> memref<128x16xf32, #tpu.memory_space<vmem>>
      tpu.enqueue_dma source(%dma_start3A_723 : memref<128x16xf32, #tpu.memory_space<vmem>>) target(%dma_start3A_719 : memref<128x16xf32, #tpu.memory_space<hbm>>) target_semaphore(%arg31 : memref<!tpu.dma_semaphore, #tpu.memory_space<semaphore_mem>>)
      %lt3A_724 = arith.constant 325 : i32
      %lt3A_725 = arith.cmpi slt, %add3A_692, %lt3A_724 : i32
      %convert_element_type3A_726 = arith.extui %lt3A_725 : i1 to i32
      %cond3A_727 = arith.constant 0 : i32
      %cond3A_728 = arith.cmpi ne, %convert_element_type3A_726, %cond3A_727 : i32
      scf.if %cond3A_728 {
        %sub3A = arith.constant 13 : i32
        %sub3A_809 = arith.subi %add3A_692, %sub3A : i32
        %ge3A = arith.constant 0 : i32
        %ge3A_810 = arith.cmpi sge, %sub3A_809, %ge3A : i32
        %convert_element_type3A_811 = arith.extui %ge3A_810 : i1 to i32
        %cond3A_812 = arith.constant 0 : i32
        %cond3A_813 = arith.cmpi ne, %convert_element_type3A_811, %cond3A_812 : i32
        scf.if %cond3A_813 {
          %dma_wait3A_825 = arith.constant 4 : i32
          %dma_wait3A_826 = arith.constant 0 : i32
          %dma_wait3A_827 = arith.constant 0 : i32
          %dma_wait3A_828 = tpu.memref_slice %arg6[%dma_wait3A_825, %dma_wait3A_826, %dma_wait3A_827] : memref<13x128x16xf32, #tpu.memory_space<vmem>> -> memref<1x128x16xf32, #tpu.memory_space<vmem>>
          %dma_wait3A_829 = tpu.memref_squeeze %dma_wait3A_828 : memref<1x128x16xf32, #tpu.memory_space<vmem>> -> memref<128x16xf32, #tpu.memory_space<vmem>>
          %dma_wait3A_830 = arith.constant 0 : i32
          %dma_wait3A_831 = arith.constant 0 : i32
          %dma_wait3A_832 = tpu.memref_slice %arg4[%dma_wait3A_830, %dma_wait3A_831] : memref<1331200x16xf32, #tpu.memory_space<hbm>> -> memref<128x16xf32, #tpu.memory_space<hbm>>
          %dma_wait3A_833 = arith.constant 0 : i32
          %dma_wait3A_834 = arith.constant 0 : i32
          %dma_wait3A_835 = tpu.memref_slice %arg4[%dma_wait3A_833, %dma_wait3A_834] : memref<1331200x16xf32, #tpu.memory_space<hbm>> -> memref<128x16xf32, #tpu.memory_space<hbm>>
          %dma_wait3A_836 = arith.constant 0 : i32
          %dma_wait3A_837 = arith.constant 0 : i32
          %dma_wait3A_838 = tpu.memref_slice %arg6[%dma_wait3A_825, %dma_wait3A_836, %dma_wait3A_837] : memref<13x128x16xf32, #tpu.memory_space<vmem>> -> memref<1x128x16xf32, #tpu.memory_space<vmem>>
          %dma_wait3A_839 = tpu.memref_squeeze %dma_wait3A_838 : memref<1x128x16xf32, #tpu.memory_space<vmem>> -> memref<128x16xf32, #tpu.memory_space<vmem>>
          tpu.wait_dma2 semaphore(%arg25 : memref<!tpu.dma_semaphore, #tpu.memory_space<semaphore_mem>>) src(%dma_wait3A_839 : memref<128x16xf32, #tpu.memory_space<vmem>>) dst(%dma_wait3A_835 : memref<128x16xf32, #tpu.memory_space<hbm>>)
        } else {
        }
        %dma_start3A_814 = arith.constant 4 : i32
        %dma_start3A_815 = arith.constant 0 : i32
        %dma_start3A_816 = arith.constant 0 : i32
        %dma_start3A_817 = tpu.memref_slice %arg6[%dma_start3A_814, %dma_start3A_815, %dma_start3A_816] : memref<13x128x16xf32, #tpu.memory_space<vmem>> -> memref<1x128x16xf32, #tpu.memory_space<vmem>>
        %dma_start3A_818 = tpu.memref_squeeze %dma_start3A_817 : memref<1x128x16xf32, #tpu.memory_space<vmem>> -> memref<128x16xf32, #tpu.memory_space<vmem>>
        %dma_start3A_819 = arith.constant 0 : i32
        %dma_start3A_820 = tpu.memref_slice %arg5[%add3A_692, %dma_start3A_819] : memref<325x128xi32, #tpu.memory_space<vmem>> -> memref<1x128xi32, #tpu.memory_space<vmem>>
        %dma_start3A_821 = tpu.memref_squeeze %dma_start3A_820 : memref<1x128xi32, #tpu.memory_space<vmem>> -> memref<128xi32, #tpu.memory_space<vmem>>
        %dma_start3A_822 = arith.constant 0 : i32
        %dma_start3A_823 = arith.constant 0 : i32
        %dma_start3A_824 = tpu.memref_slice %arg7[%dma_start3A_822, %dma_start3A_823] : memref<26000x16xf32, #tpu.memory_space<vmem_shared>> -> memref<26000x16xf32, #tpu.memory_space<vmem_shared>>
        tpu.enqueue_indirect_dma source(%dma_start3A_824 : memref<26000x16xf32, #tpu.memory_space<vmem_shared>>) target(%dma_start3A_818 : memref<128x16xf32, #tpu.memory_space<vmem>>) offsets(%dma_start3A_821 : memref<128xi32, #tpu.memory_space<vmem>>) semaphore(%arg12 : memref<!tpu.dma_semaphore, #tpu.memory_space<semaphore_mem>>)
      } else {
      }
      %add3A_729 = arith.constant 11 : i32
      %add3A_730 = arith.addi %mul3A_291, %add3A_729 : i32
      %add3A_731 = arith.constant 7 : i32
      %add3A_732 = arith.addi %add3A_730, %add3A_731 : i32
      %dma_wait3A_733 = arith.constant 11 : i32
      %dma_wait3A_734 = arith.constant 0 : i32
      %dma_wait3A_735 = arith.constant 0 : i32
      %dma_wait3A_736 = tpu.memref_slice %arg6[%dma_wait3A_733, %dma_wait3A_734, %dma_wait3A_735] : memref<13x128x16xf32, #tpu.memory_space<vmem>> -> memref<1x128x16xf32, #tpu.memory_space<vmem>>
      %dma_wait3A_737 = tpu.memref_squeeze %dma_wait3A_736 : memref<1x128x16xf32, #tpu.memory_space<vmem>> -> memref<128x16xf32, #tpu.memory_space<vmem>>
      %dma_wait3A_738 = arith.constant 0 : i32
      %dma_wait3A_739 = arith.constant 0 : i32
      %dma_wait3A_740 = tpu.memref_slice %arg4[%dma_wait3A_738, %dma_wait3A_739] : memref<1331200x16xf32, #tpu.memory_space<hbm>> -> memref<128x16xf32, #tpu.memory_space<hbm>>
      %dma_wait3A_741 = arith.constant 0 : i32
      %dma_wait3A_742 = arith.constant 0 : i32
      %dma_wait3A_743 = tpu.memref_slice %arg6[%dma_wait3A_733, %dma_wait3A_741, %dma_wait3A_742] : memref<13x128x16xf32, #tpu.memory_space<vmem>> -> memref<1x128x16xf32, #tpu.memory_space<vmem>>
      %dma_wait3A_744 = tpu.memref_squeeze %dma_wait3A_743 : memref<1x128x16xf32, #tpu.memory_space<vmem>> -> memref<128x16xf32, #tpu.memory_space<vmem>>
      %dma_wait3A_745 = arith.constant 0 : i32
      %dma_wait3A_746 = arith.constant 0 : i32
      %dma_wait3A_747 = tpu.memref_slice %arg4[%dma_wait3A_745, %dma_wait3A_746] : memref<1331200x16xf32, #tpu.memory_space<hbm>> -> memref<128x16xf32, #tpu.memory_space<hbm>>
      tpu.wait_dma2 semaphore(%arg19 : memref<!tpu.dma_semaphore, #tpu.memory_space<semaphore_mem>>) src(%dma_wait3A_747 : memref<128x16xf32, #tpu.memory_space<hbm>>) dst(%dma_wait3A_744 : memref<128x16xf32, #tpu.memory_space<vmem>>)
      %add3A_748 = arith.addi %mul3A_6, %add3A_730 : i32
      %mul3A_749 = arith.constant 128 : i32
      %mul3A_750 = arith.muli %add3A_748, %mul3A_749 : i32
      %dma_start3A_751 = arith.constant 11 : i32
      %dma_start3A_752 = arith.constant 0 : i32
      %dma_start3A_753 = arith.constant 0 : i32
      %dma_start3A_754 = tpu.memref_slice %arg6[%dma_start3A_751, %dma_start3A_752, %dma_start3A_753] : memref<13x128x16xf32, #tpu.memory_space<vmem>> -> memref<1x128x16xf32, #tpu.memory_space<vmem>>
      %dma_start3A_755 = tpu.memref_squeeze %dma_start3A_754 : memref<1x128x16xf32, #tpu.memory_space<vmem>> -> memref<128x16xf32, #tpu.memory_space<vmem>>
      %dma_start3A_756 = arith.constant 0 : i32
      %dma_start3A_757 = tpu.memref_slice %arg4[%mul3A_750, %dma_start3A_756] : memref<1331200x16xf32, #tpu.memory_space<hbm>> -> memref<128x16xf32, #tpu.memory_space<hbm>>
      %dma_start3A_758 = arith.constant 0 : i32
      %dma_start3A_759 = tpu.memref_slice %arg4[%mul3A_750, %dma_start3A_758] : memref<1331200x16xf32, #tpu.memory_space<hbm>> -> memref<128x16xf32, #tpu.memory_space<hbm>>
      %dma_start3A_760 = arith.constant 0 : i32
      %dma_start3A_761 = arith.constant 0 : i32
      %dma_start3A_762 = tpu.memref_slice %arg6[%dma_start3A_751, %dma_start3A_760, %dma_start3A_761] : memref<13x128x16xf32, #tpu.memory_space<vmem>> -> memref<1x128x16xf32, #tpu.memory_space<vmem>>
      %dma_start3A_763 = tpu.memref_squeeze %dma_start3A_762 : memref<1x128x16xf32, #tpu.memory_space<vmem>> -> memref<128x16xf32, #tpu.memory_space<vmem>>
      tpu.enqueue_dma source(%dma_start3A_763 : memref<128x16xf32, #tpu.memory_space<vmem>>) target(%dma_start3A_759 : memref<128x16xf32, #tpu.memory_space<hbm>>) target_semaphore(%arg32 : memref<!tpu.dma_semaphore, #tpu.memory_space<semaphore_mem>>)
      %lt3A_764 = arith.constant 325 : i32
      %lt3A_765 = arith.cmpi slt, %add3A_732, %lt3A_764 : i32
      %convert_element_type3A_766 = arith.extui %lt3A_765 : i1 to i32
      %cond3A_767 = arith.constant 0 : i32
      %cond3A_768 = arith.cmpi ne, %convert_element_type3A_766, %cond3A_767 : i32
      scf.if %cond3A_768 {
        %sub3A = arith.constant 13 : i32
        %sub3A_809 = arith.subi %add3A_732, %sub3A : i32
        %ge3A = arith.constant 0 : i32
        %ge3A_810 = arith.cmpi sge, %sub3A_809, %ge3A : i32
        %convert_element_type3A_811 = arith.extui %ge3A_810 : i1 to i32
        %cond3A_812 = arith.constant 0 : i32
        %cond3A_813 = arith.cmpi ne, %convert_element_type3A_811, %cond3A_812 : i32
        scf.if %cond3A_813 {
          %dma_wait3A_825 = arith.constant 5 : i32
          %dma_wait3A_826 = arith.constant 0 : i32
          %dma_wait3A_827 = arith.constant 0 : i32
          %dma_wait3A_828 = tpu.memref_slice %arg6[%dma_wait3A_825, %dma_wait3A_826, %dma_wait3A_827] : memref<13x128x16xf32, #tpu.memory_space<vmem>> -> memref<1x128x16xf32, #tpu.memory_space<vmem>>
          %dma_wait3A_829 = tpu.memref_squeeze %dma_wait3A_828 : memref<1x128x16xf32, #tpu.memory_space<vmem>> -> memref<128x16xf32, #tpu.memory_space<vmem>>
          %dma_wait3A_830 = arith.constant 0 : i32
          %dma_wait3A_831 = arith.constant 0 : i32
          %dma_wait3A_832 = tpu.memref_slice %arg4[%dma_wait3A_830, %dma_wait3A_831] : memref<1331200x16xf32, #tpu.memory_space<hbm>> -> memref<128x16xf32, #tpu.memory_space<hbm>>
          %dma_wait3A_833 = arith.constant 0 : i32
          %dma_wait3A_834 = arith.constant 0 : i32
          %dma_wait3A_835 = tpu.memref_slice %arg4[%dma_wait3A_833, %dma_wait3A_834] : memref<1331200x16xf32, #tpu.memory_space<hbm>> -> memref<128x16xf32, #tpu.memory_space<hbm>>
          %dma_wait3A_836 = arith.constant 0 : i32
          %dma_wait3A_837 = arith.constant 0 : i32
          %dma_wait3A_838 = tpu.memref_slice %arg6[%dma_wait3A_825, %dma_wait3A_836, %dma_wait3A_837] : memref<13x128x16xf32, #tpu.memory_space<vmem>> -> memref<1x128x16xf32, #tpu.memory_space<vmem>>
          %dma_wait3A_839 = tpu.memref_squeeze %dma_wait3A_838 : memref<1x128x16xf32, #tpu.memory_space<vmem>> -> memref<128x16xf32, #tpu.memory_space<vmem>>
          tpu.wait_dma2 semaphore(%arg26 : memref<!tpu.dma_semaphore, #tpu.memory_space<semaphore_mem>>) src(%dma_wait3A_839 : memref<128x16xf32, #tpu.memory_space<vmem>>) dst(%dma_wait3A_835 : memref<128x16xf32, #tpu.memory_space<hbm>>)
        } else {
        }
        %dma_start3A_814 = arith.constant 5 : i32
        %dma_start3A_815 = arith.constant 0 : i32
        %dma_start3A_816 = arith.constant 0 : i32
        %dma_start3A_817 = tpu.memref_slice %arg6[%dma_start3A_814, %dma_start3A_815, %dma_start3A_816] : memref<13x128x16xf32, #tpu.memory_space<vmem>> -> memref<1x128x16xf32, #tpu.memory_space<vmem>>
        %dma_start3A_818 = tpu.memref_squeeze %dma_start3A_817 : memref<1x128x16xf32, #tpu.memory_space<vmem>> -> memref<128x16xf32, #tpu.memory_space<vmem>>
        %dma_start3A_819 = arith.constant 0 : i32
        %dma_start3A_820 = tpu.memref_slice %arg5[%add3A_732, %dma_start3A_819] : memref<325x128xi32, #tpu.memory_space<vmem>> -> memref<1x128xi32, #tpu.memory_space<vmem>>
        %dma_start3A_821 = tpu.memref_squeeze %dma_start3A_820 : memref<1x128xi32, #tpu.memory_space<vmem>> -> memref<128xi32, #tpu.memory_space<vmem>>
        %dma_start3A_822 = arith.constant 0 : i32
        %dma_start3A_823 = arith.constant 0 : i32
        %dma_start3A_824 = tpu.memref_slice %arg7[%dma_start3A_822, %dma_start3A_823] : memref<26000x16xf32, #tpu.memory_space<vmem_shared>> -> memref<26000x16xf32, #tpu.memory_space<vmem_shared>>
        tpu.enqueue_indirect_dma source(%dma_start3A_824 : memref<26000x16xf32, #tpu.memory_space<vmem_shared>>) target(%dma_start3A_818 : memref<128x16xf32, #tpu.memory_space<vmem>>) offsets(%dma_start3A_821 : memref<128xi32, #tpu.memory_space<vmem>>) semaphore(%arg13 : memref<!tpu.dma_semaphore, #tpu.memory_space<semaphore_mem>>)
      } else {
      }
      %add3A_769 = arith.constant 12 : i32
      %add3A_770 = arith.addi %mul3A_291, %add3A_769 : i32
      %add3A_771 = arith.constant 7 : i32
      %add3A_772 = arith.addi %add3A_770, %add3A_771 : i32
      %dma_wait3A_773 = arith.constant 12 : i32
      %dma_wait3A_774 = arith.constant 0 : i32
      %dma_wait3A_775 = arith.constant 0 : i32
      %dma_wait3A_776 = tpu.memref_slice %arg6[%dma_wait3A_773, %dma_wait3A_774, %dma_wait3A_775] : memref<13x128x16xf32, #tpu.memory_space<vmem>> -> memref<1x128x16xf32, #tpu.memory_space<vmem>>
      %dma_wait3A_777 = tpu.memref_squeeze %dma_wait3A_776 : memref<1x128x16xf32, #tpu.memory_space<vmem>> -> memref<128x16xf32, #tpu.memory_space<vmem>>
      %dma_wait3A_778 = arith.constant 0 : i32
      %dma_wait3A_779 = arith.constant 0 : i32
      %dma_wait3A_780 = tpu.memref_slice %arg4[%dma_wait3A_778, %dma_wait3A_779] : memref<1331200x16xf32, #tpu.memory_space<hbm>> -> memref<128x16xf32, #tpu.memory_space<hbm>>
      %dma_wait3A_781 = arith.constant 0 : i32
      %dma_wait3A_782 = arith.constant 0 : i32
      %dma_wait3A_783 = tpu.memref_slice %arg6[%dma_wait3A_773, %dma_wait3A_781, %dma_wait3A_782] : memref<13x128x16xf32, #tpu.memory_space<vmem>> -> memref<1x128x16xf32, #tpu.memory_space<vmem>>
      %dma_wait3A_784 = tpu.memref_squeeze %dma_wait3A_783 : memref<1x128x16xf32, #tpu.memory_space<vmem>> -> memref<128x16xf32, #tpu.memory_space<vmem>>
      %dma_wait3A_785 = arith.constant 0 : i32
      %dma_wait3A_786 = arith.constant 0 : i32
      %dma_wait3A_787 = tpu.memref_slice %arg4[%dma_wait3A_785, %dma_wait3A_786] : memref<1331200x16xf32, #tpu.memory_space<hbm>> -> memref<128x16xf32, #tpu.memory_space<hbm>>
      tpu.wait_dma2 semaphore(%arg20 : memref<!tpu.dma_semaphore, #tpu.memory_space<semaphore_mem>>) src(%dma_wait3A_787 : memref<128x16xf32, #tpu.memory_space<hbm>>) dst(%dma_wait3A_784 : memref<128x16xf32, #tpu.memory_space<vmem>>)
      %add3A_788 = arith.addi %mul3A_6, %add3A_770 : i32
      %mul3A_789 = arith.constant 128 : i32
      %mul3A_790 = arith.muli %add3A_788, %mul3A_789 : i32
      %dma_start3A_791 = arith.constant 12 : i32
      %dma_start3A_792 = arith.constant 0 : i32
      %dma_start3A_793 = arith.constant 0 : i32
      %dma_start3A_794 = tpu.memref_slice %arg6[%dma_start3A_791, %dma_start3A_792, %dma_start3A_793] : memref<13x128x16xf32, #tpu.memory_space<vmem>> -> memref<1x128x16xf32, #tpu.memory_space<vmem>>
      %dma_start3A_795 = tpu.memref_squeeze %dma_start3A_794 : memref<1x128x16xf32, #tpu.memory_space<vmem>> -> memref<128x16xf32, #tpu.memory_space<vmem>>
      %dma_start3A_796 = arith.constant 0 : i32
      %dma_start3A_797 = tpu.memref_slice %arg4[%mul3A_790, %dma_start3A_796] : memref<1331200x16xf32, #tpu.memory_space<hbm>> -> memref<128x16xf32, #tpu.memory_space<hbm>>
      %dma_start3A_798 = arith.constant 0 : i32
      %dma_start3A_799 = tpu.memref_slice %arg4[%mul3A_790, %dma_start3A_798] : memref<1331200x16xf32, #tpu.memory_space<hbm>> -> memref<128x16xf32, #tpu.memory_space<hbm>>
      %dma_start3A_800 = arith.constant 0 : i32
      %dma_start3A_801 = arith.constant 0 : i32
      %dma_start3A_802 = tpu.memref_slice %arg6[%dma_start3A_791, %dma_start3A_800, %dma_start3A_801] : memref<13x128x16xf32, #tpu.memory_space<vmem>> -> memref<1x128x16xf32, #tpu.memory_space<vmem>>
      %dma_start3A_803 = tpu.memref_squeeze %dma_start3A_802 : memref<1x128x16xf32, #tpu.memory_space<vmem>> -> memref<128x16xf32, #tpu.memory_space<vmem>>
      tpu.enqueue_dma source(%dma_start3A_803 : memref<128x16xf32, #tpu.memory_space<vmem>>) target(%dma_start3A_799 : memref<128x16xf32, #tpu.memory_space<hbm>>) target_semaphore(%arg33 : memref<!tpu.dma_semaphore, #tpu.memory_space<semaphore_mem>>)
      %lt3A_804 = arith.constant 325 : i32
      %lt3A_805 = arith.cmpi slt, %add3A_772, %lt3A_804 : i32
      %convert_element_type3A_806 = arith.extui %lt3A_805 : i1 to i32
      %cond3A_807 = arith.constant 0 : i32
      %cond3A_808 = arith.cmpi ne, %convert_element_type3A_806, %cond3A_807 : i32
      scf.if %cond3A_808 {
        %sub3A = arith.constant 13 : i32
        %sub3A_809 = arith.subi %add3A_772, %sub3A : i32
        %ge3A = arith.constant 0 : i32
        %ge3A_810 = arith.cmpi sge, %sub3A_809, %ge3A : i32
        %convert_element_type3A_811 = arith.extui %ge3A_810 : i1 to i32
        %cond3A_812 = arith.constant 0 : i32
        %cond3A_813 = arith.cmpi ne, %convert_element_type3A_811, %cond3A_812 : i32
        scf.if %cond3A_813 {
          %dma_wait3A_825 = arith.constant 6 : i32
          %dma_wait3A_826 = arith.constant 0 : i32
          %dma_wait3A_827 = arith.constant 0 : i32
          %dma_wait3A_828 = tpu.memref_slice %arg6[%dma_wait3A_825, %dma_wait3A_826, %dma_wait3A_827] : memref<13x128x16xf32, #tpu.memory_space<vmem>> -> memref<1x128x16xf32, #tpu.memory_space<vmem>>
          %dma_wait3A_829 = tpu.memref_squeeze %dma_wait3A_828 : memref<1x128x16xf32, #tpu.memory_space<vmem>> -> memref<128x16xf32, #tpu.memory_space<vmem>>
          %dma_wait3A_830 = arith.constant 0 : i32
          %dma_wait3A_831 = arith.constant 0 : i32
          %dma_wait3A_832 = tpu.memref_slice %arg4[%dma_wait3A_830, %dma_wait3A_831] : memref<1331200x16xf32, #tpu.memory_space<hbm>> -> memref<128x16xf32, #tpu.memory_space<hbm>>
          %dma_wait3A_833 = arith.constant 0 : i32
          %dma_wait3A_834 = arith.constant 0 : i32
          %dma_wait3A_835 = tpu.memref_slice %arg4[%dma_wait3A_833, %dma_wait3A_834] : memref<1331200x16xf32, #tpu.memory_space<hbm>> -> memref<128x16xf32, #tpu.memory_space<hbm>>
          %dma_wait3A_836 = arith.constant 0 : i32
          %dma_wait3A_837 = arith.constant 0 : i32
          %dma_wait3A_838 = tpu.memref_slice %arg6[%dma_wait3A_825, %dma_wait3A_836, %dma_wait3A_837] : memref<13x128x16xf32, #tpu.memory_space<vmem>> -> memref<1x128x16xf32, #tpu.memory_space<vmem>>
          %dma_wait3A_839 = tpu.memref_squeeze %dma_wait3A_838 : memref<1x128x16xf32, #tpu.memory_space<vmem>> -> memref<128x16xf32, #tpu.memory_space<vmem>>
          tpu.wait_dma2 semaphore(%arg27 : memref<!tpu.dma_semaphore, #tpu.memory_space<semaphore_mem>>) src(%dma_wait3A_839 : memref<128x16xf32, #tpu.memory_space<vmem>>) dst(%dma_wait3A_835 : memref<128x16xf32, #tpu.memory_space<hbm>>)
        } else {
        }
        %dma_start3A_814 = arith.constant 6 : i32
        %dma_start3A_815 = arith.constant 0 : i32
        %dma_start3A_816 = arith.constant 0 : i32
        %dma_start3A_817 = tpu.memref_slice %arg6[%dma_start3A_814, %dma_start3A_815, %dma_start3A_816] : memref<13x128x16xf32, #tpu.memory_space<vmem>> -> memref<1x128x16xf32, #tpu.memory_space<vmem>>
        %dma_start3A_818 = tpu.memref_squeeze %dma_start3A_817 : memref<1x128x16xf32, #tpu.memory_space<vmem>> -> memref<128x16xf32, #tpu.memory_space<vmem>>
        %dma_start3A_819 = arith.constant 0 : i32
        %dma_start3A_820 = tpu.memref_slice %arg5[%add3A_772, %dma_start3A_819] : memref<325x128xi32, #tpu.memory_space<vmem>> -> memref<1x128xi32, #tpu.memory_space<vmem>>
        %dma_start3A_821 = tpu.memref_squeeze %dma_start3A_820 : memref<1x128xi32, #tpu.memory_space<vmem>> -> memref<128xi32, #tpu.memory_space<vmem>>
        %dma_start3A_822 = arith.constant 0 : i32
        %dma_start3A_823 = arith.constant 0 : i32
        %dma_start3A_824 = tpu.memref_slice %arg7[%dma_start3A_822, %dma_start3A_823] : memref<26000x16xf32, #tpu.memory_space<vmem_shared>> -> memref<26000x16xf32, #tpu.memory_space<vmem_shared>>
        tpu.enqueue_indirect_dma source(%dma_start3A_824 : memref<26000x16xf32, #tpu.memory_space<vmem_shared>>) target(%dma_start3A_818 : memref<128x16xf32, #tpu.memory_space<vmem>>) offsets(%dma_start3A_821 : memref<128xi32, #tpu.memory_space<vmem>>) semaphore(%arg14 : memref<!tpu.dma_semaphore, #tpu.memory_space<semaphore_mem>>)
      } else {
      }
    }
    %scan3A_94 = arith.constant 25 : i32
    %dma_wait3A = arith.constant 0 : i32
    %dma_wait3A_95 = arith.constant 0 : i32
    %dma_wait3A_96 = arith.constant 0 : i32
    %dma_wait3A_97 = tpu.memref_slice %arg6[%dma_wait3A, %dma_wait3A_95, %dma_wait3A_96] : memref<13x128x16xf32, #tpu.memory_space<vmem>> -> memref<1x128x16xf32, #tpu.memory_space<vmem>>
    %dma_wait3A_98 = tpu.memref_squeeze %dma_wait3A_97 : memref<1x128x16xf32, #tpu.memory_space<vmem>> -> memref<128x16xf32, #tpu.memory_space<vmem>>
    %dma_wait3A_99 = arith.constant 0 : i32
    %dma_wait3A_100 = arith.constant 0 : i32
    %dma_wait3A_101 = tpu.memref_slice %arg4[%dma_wait3A_99, %dma_wait3A_100] : memref<1331200x16xf32, #tpu.memory_space<hbm>> -> memref<128x16xf32, #tpu.memory_space<hbm>>
    %dma_wait3A_102 = arith.constant 0 : i32
    %dma_wait3A_103 = arith.constant 0 : i32
    %dma_wait3A_104 = tpu.memref_slice %arg4[%dma_wait3A_102, %dma_wait3A_103] : memref<1331200x16xf32, #tpu.memory_space<hbm>> -> memref<128x16xf32, #tpu.memory_space<hbm>>
    %dma_wait3A_105 = arith.constant 0 : i32
    %dma_wait3A_106 = arith.constant 0 : i32
    %dma_wait3A_107 = tpu.memref_slice %arg6[%dma_wait3A, %dma_wait3A_105, %dma_wait3A_106] : memref<13x128x16xf32, #tpu.memory_space<vmem>> -> memref<1x128x16xf32, #tpu.memory_space<vmem>>
    %dma_wait3A_108 = tpu.memref_squeeze %dma_wait3A_107 : memref<1x128x16xf32, #tpu.memory_space<vmem>> -> memref<128x16xf32, #tpu.memory_space<vmem>>
    tpu.wait_dma2 semaphore(%arg21 : memref<!tpu.dma_semaphore, #tpu.memory_space<semaphore_mem>>) src(%dma_wait3A_108 : memref<128x16xf32, #tpu.memory_space<vmem>>) dst(%dma_wait3A_104 : memref<128x16xf32, #tpu.memory_space<hbm>>)
    %dma_wait3A_109 = arith.constant 1 : i32
    %dma_wait3A_110 = arith.constant 0 : i32
    %dma_wait3A_111 = arith.constant 0 : i32
    %dma_wait3A_112 = tpu.memref_slice %arg6[%dma_wait3A_109, %dma_wait3A_110, %dma_wait3A_111] : memref<13x128x16xf32, #tpu.memory_space<vmem>> -> memref<1x128x16xf32, #tpu.memory_space<vmem>>
    %dma_wait3A_113 = tpu.memref_squeeze %dma_wait3A_112 : memref<1x128x16xf32, #tpu.memory_space<vmem>> -> memref<128x16xf32, #tpu.memory_space<vmem>>
    %dma_wait3A_114 = arith.constant 0 : i32
    %dma_wait3A_115 = arith.constant 0 : i32
    %dma_wait3A_116 = tpu.memref_slice %arg4[%dma_wait3A_114, %dma_wait3A_115] : memref<1331200x16xf32, #tpu.memory_space<hbm>> -> memref<128x16xf32, #tpu.memory_space<hbm>>
    %dma_wait3A_117 = arith.constant 0 : i32
    %dma_wait3A_118 = arith.constant 0 : i32
    %dma_wait3A_119 = tpu.memref_slice %arg4[%dma_wait3A_117, %dma_wait3A_118] : memref<1331200x16xf32, #tpu.memory_space<hbm>> -> memref<128x16xf32, #tpu.memory_space<hbm>>
    %dma_wait3A_120 = arith.constant 0 : i32
    %dma_wait3A_121 = arith.constant 0 : i32
    %dma_wait3A_122 = tpu.memref_slice %arg6[%dma_wait3A_109, %dma_wait3A_120, %dma_wait3A_121] : memref<13x128x16xf32, #tpu.memory_space<vmem>> -> memref<1x128x16xf32, #tpu.memory_space<vmem>>
    %dma_wait3A_123 = tpu.memref_squeeze %dma_wait3A_122 : memref<1x128x16xf32, #tpu.memory_space<vmem>> -> memref<128x16xf32, #tpu.memory_space<vmem>>
    tpu.wait_dma2 semaphore(%arg22 : memref<!tpu.dma_semaphore, #tpu.memory_space<semaphore_mem>>) src(%dma_wait3A_123 : memref<128x16xf32, #tpu.memory_space<vmem>>) dst(%dma_wait3A_119 : memref<128x16xf32, #tpu.memory_space<hbm>>)
    %dma_wait3A_124 = arith.constant 2 : i32
    %dma_wait3A_125 = arith.constant 0 : i32
    %dma_wait3A_126 = arith.constant 0 : i32
    %dma_wait3A_127 = tpu.memref_slice %arg6[%dma_wait3A_124, %dma_wait3A_125, %dma_wait3A_126] : memref<13x128x16xf32, #tpu.memory_space<vmem>> -> memref<1x128x16xf32, #tpu.memory_space<vmem>>
    %dma_wait3A_128 = tpu.memref_squeeze %dma_wait3A_127 : memref<1x128x16xf32, #tpu.memory_space<vmem>> -> memref<128x16xf32, #tpu.memory_space<vmem>>
    %dma_wait3A_129 = arith.constant 0 : i32
    %dma_wait3A_130 = arith.constant 0 : i32
    %dma_wait3A_131 = tpu.memref_slice %arg4[%dma_wait3A_129, %dma_wait3A_130] : memref<1331200x16xf32, #tpu.memory_space<hbm>> -> memref<128x16xf32, #tpu.memory_space<hbm>>
    %dma_wait3A_132 = arith.constant 0 : i32
    %dma_wait3A_133 = arith.constant 0 : i32
    %dma_wait3A_134 = tpu.memref_slice %arg4[%dma_wait3A_132, %dma_wait3A_133] : memref<1331200x16xf32, #tpu.memory_space<hbm>> -> memref<128x16xf32, #tpu.memory_space<hbm>>
    %dma_wait3A_135 = arith.constant 0 : i32
    %dma_wait3A_136 = arith.constant 0 : i32
    %dma_wait3A_137 = tpu.memref_slice %arg6[%dma_wait3A_124, %dma_wait3A_135, %dma_wait3A_136] : memref<13x128x16xf32, #tpu.memory_space<vmem>> -> memref<1x128x16xf32, #tpu.memory_space<vmem>>
    %dma_wait3A_138 = tpu.memref_squeeze %dma_wait3A_137 : memref<1x128x16xf32, #tpu.memory_space<vmem>> -> memref<128x16xf32, #tpu.memory_space<vmem>>
    tpu.wait_dma2 semaphore(%arg23 : memref<!tpu.dma_semaphore, #tpu.memory_space<semaphore_mem>>) src(%dma_wait3A_138 : memref<128x16xf32, #tpu.memory_space<vmem>>) dst(%dma_wait3A_134 : memref<128x16xf32, #tpu.memory_space<hbm>>)
    %dma_wait3A_139 = arith.constant 3 : i32
    %dma_wait3A_140 = arith.constant 0 : i32
    %dma_wait3A_141 = arith.constant 0 : i32
    %dma_wait3A_142 = tpu.memref_slice %arg6[%dma_wait3A_139, %dma_wait3A_140, %dma_wait3A_141] : memref<13x128x16xf32, #tpu.memory_space<vmem>> -> memref<1x128x16xf32, #tpu.memory_space<vmem>>
    %dma_wait3A_143 = tpu.memref_squeeze %dma_wait3A_142 : memref<1x128x16xf32, #tpu.memory_space<vmem>> -> memref<128x16xf32, #tpu.memory_space<vmem>>
    %dma_wait3A_144 = arith.constant 0 : i32
    %dma_wait3A_145 = arith.constant 0 : i32
    %dma_wait3A_146 = tpu.memref_slice %arg4[%dma_wait3A_144, %dma_wait3A_145] : memref<1331200x16xf32, #tpu.memory_space<hbm>> -> memref<128x16xf32, #tpu.memory_space<hbm>>
    %dma_wait3A_147 = arith.constant 0 : i32
    %dma_wait3A_148 = arith.constant 0 : i32
    %dma_wait3A_149 = tpu.memref_slice %arg4[%dma_wait3A_147, %dma_wait3A_148] : memref<1331200x16xf32, #tpu.memory_space<hbm>> -> memref<128x16xf32, #tpu.memory_space<hbm>>
    %dma_wait3A_150 = arith.constant 0 : i32
    %dma_wait3A_151 = arith.constant 0 : i32
    %dma_wait3A_152 = tpu.memref_slice %arg6[%dma_wait3A_139, %dma_wait3A_150, %dma_wait3A_151] : memref<13x128x16xf32, #tpu.memory_space<vmem>> -> memref<1x128x16xf32, #tpu.memory_space<vmem>>
    %dma_wait3A_153 = tpu.memref_squeeze %dma_wait3A_152 : memref<1x128x16xf32, #tpu.memory_space<vmem>> -> memref<128x16xf32, #tpu.memory_space<vmem>>
    tpu.wait_dma2 semaphore(%arg24 : memref<!tpu.dma_semaphore, #tpu.memory_space<semaphore_mem>>) src(%dma_wait3A_153 : memref<128x16xf32, #tpu.memory_space<vmem>>) dst(%dma_wait3A_149 : memref<128x16xf32, #tpu.memory_space<hbm>>)
    %dma_wait3A_154 = arith.constant 4 : i32
    %dma_wait3A_155 = arith.constant 0 : i32
    %dma_wait3A_156 = arith.constant 0 : i32
    %dma_wait3A_157 = tpu.memref_slice %arg6[%dma_wait3A_154, %dma_wait3A_155, %dma_wait3A_156] : memref<13x128x16xf32, #tpu.memory_space<vmem>> -> memref<1x128x16xf32, #tpu.memory_space<vmem>>
    %dma_wait3A_158 = tpu.memref_squeeze %dma_wait3A_157 : memref<1x128x16xf32, #tpu.memory_space<vmem>> -> memref<128x16xf32, #tpu.memory_space<vmem>>
    %dma_wait3A_159 = arith.constant 0 : i32
    %dma_wait3A_160 = arith.constant 0 : i32
    %dma_wait3A_161 = tpu.memref_slice %arg4[%dma_wait3A_159, %dma_wait3A_160] : memref<1331200x16xf32, #tpu.memory_space<hbm>> -> memref<128x16xf32, #tpu.memory_space<hbm>>
    %dma_wait3A_162 = arith.constant 0 : i32
    %dma_wait3A_163 = arith.constant 0 : i32
    %dma_wait3A_164 = tpu.memref_slice %arg4[%dma_wait3A_162, %dma_wait3A_163] : memref<1331200x16xf32, #tpu.memory_space<hbm>> -> memref<128x16xf32, #tpu.memory_space<hbm>>
    %dma_wait3A_165 = arith.constant 0 : i32
    %dma_wait3A_166 = arith.constant 0 : i32
    %dma_wait3A_167 = tpu.memref_slice %arg6[%dma_wait3A_154, %dma_wait3A_165, %dma_wait3A_166] : memref<13x128x16xf32, #tpu.memory_space<vmem>> -> memref<1x128x16xf32, #tpu.memory_space<vmem>>
    %dma_wait3A_168 = tpu.memref_squeeze %dma_wait3A_167 : memref<1x128x16xf32, #tpu.memory_space<vmem>> -> memref<128x16xf32, #tpu.memory_space<vmem>>
    tpu.wait_dma2 semaphore(%arg25 : memref<!tpu.dma_semaphore, #tpu.memory_space<semaphore_mem>>) src(%dma_wait3A_168 : memref<128x16xf32, #tpu.memory_space<vmem>>) dst(%dma_wait3A_164 : memref<128x16xf32, #tpu.memory_space<hbm>>)
    %dma_wait3A_169 = arith.constant 5 : i32
    %dma_wait3A_170 = arith.constant 0 : i32
    %dma_wait3A_171 = arith.constant 0 : i32
    %dma_wait3A_172 = tpu.memref_slice %arg6[%dma_wait3A_169, %dma_wait3A_170, %dma_wait3A_171] : memref<13x128x16xf32, #tpu.memory_space<vmem>> -> memref<1x128x16xf32, #tpu.memory_space<vmem>>
    %dma_wait3A_173 = tpu.memref_squeeze %dma_wait3A_172 : memref<1x128x16xf32, #tpu.memory_space<vmem>> -> memref<128x16xf32, #tpu.memory_space<vmem>>
    %dma_wait3A_174 = arith.constant 0 : i32
    %dma_wait3A_175 = arith.constant 0 : i32
    %dma_wait3A_176 = tpu.memref_slice %arg4[%dma_wait3A_174, %dma_wait3A_175] : memref<1331200x16xf32, #tpu.memory_space<hbm>> -> memref<128x16xf32, #tpu.memory_space<hbm>>
    %dma_wait3A_177 = arith.constant 0 : i32
    %dma_wait3A_178 = arith.constant 0 : i32
    %dma_wait3A_179 = tpu.memref_slice %arg4[%dma_wait3A_177, %dma_wait3A_178] : memref<1331200x16xf32, #tpu.memory_space<hbm>> -> memref<128x16xf32, #tpu.memory_space<hbm>>
    %dma_wait3A_180 = arith.constant 0 : i32
    %dma_wait3A_181 = arith.constant 0 : i32
    %dma_wait3A_182 = tpu.memref_slice %arg6[%dma_wait3A_169, %dma_wait3A_180, %dma_wait3A_181] : memref<13x128x16xf32, #tpu.memory_space<vmem>> -> memref<1x128x16xf32, #tpu.memory_space<vmem>>
    %dma_wait3A_183 = tpu.memref_squeeze %dma_wait3A_182 : memref<1x128x16xf32, #tpu.memory_space<vmem>> -> memref<128x16xf32, #tpu.memory_space<vmem>>
    tpu.wait_dma2 semaphore(%arg26 : memref<!tpu.dma_semaphore, #tpu.memory_space<semaphore_mem>>) src(%dma_wait3A_183 : memref<128x16xf32, #tpu.memory_space<vmem>>) dst(%dma_wait3A_179 : memref<128x16xf32, #tpu.memory_space<hbm>>)
    %dma_wait3A_184 = arith.constant 6 : i32
    %dma_wait3A_185 = arith.constant 0 : i32
    %dma_wait3A_186 = arith.constant 0 : i32
    %dma_wait3A_187 = tpu.memref_slice %arg6[%dma_wait3A_184, %dma_wait3A_185, %dma_wait3A_186] : memref<13x128x16xf32, #tpu.memory_space<vmem>> -> memref<1x128x16xf32, #tpu.memory_space<vmem>>
    %dma_wait3A_188 = tpu.memref_squeeze %dma_wait3A_187 : memref<1x128x16xf32, #tpu.memory_space<vmem>> -> memref<128x16xf32, #tpu.memory_space<vmem>>
    %dma_wait3A_189 = arith.constant 0 : i32
    %dma_wait3A_190 = arith.constant 0 : i32
    %dma_wait3A_191 = tpu.memref_slice %arg4[%dma_wait3A_189, %dma_wait3A_190] : memref<1331200x16xf32, #tpu.memory_space<hbm>> -> memref<128x16xf32, #tpu.memory_space<hbm>>
    %dma_wait3A_192 = arith.constant 0 : i32
    %dma_wait3A_193 = arith.constant 0 : i32
    %dma_wait3A_194 = tpu.memref_slice %arg4[%dma_wait3A_192, %dma_wait3A_193] : memref<1331200x16xf32, #tpu.memory_space<hbm>> -> memref<128x16xf32, #tpu.memory_space<hbm>>
    %dma_wait3A_195 = arith.constant 0 : i32
    %dma_wait3A_196 = arith.constant 0 : i32
    %dma_wait3A_197 = tpu.memref_slice %arg6[%dma_wait3A_184, %dma_wait3A_195, %dma_wait3A_196] : memref<13x128x16xf32, #tpu.memory_space<vmem>> -> memref<1x128x16xf32, #tpu.memory_space<vmem>>
    %dma_wait3A_198 = tpu.memref_squeeze %dma_wait3A_197 : memref<1x128x16xf32, #tpu.memory_space<vmem>> -> memref<128x16xf32, #tpu.memory_space<vmem>>
    tpu.wait_dma2 semaphore(%arg27 : memref<!tpu.dma_semaphore, #tpu.memory_space<semaphore_mem>>) src(%dma_wait3A_198 : memref<128x16xf32, #tpu.memory_space<vmem>>) dst(%dma_wait3A_194 : memref<128x16xf32, #tpu.memory_space<hbm>>)
    %dma_wait3A_199 = arith.constant 7 : i32
    %dma_wait3A_200 = arith.constant 0 : i32
    %dma_wait3A_201 = arith.constant 0 : i32
    %dma_wait3A_202 = tpu.memref_slice %arg6[%dma_wait3A_199, %dma_wait3A_200, %dma_wait3A_201] : memref<13x128x16xf32, #tpu.memory_space<vmem>> -> memref<1x128x16xf32, #tpu.memory_space<vmem>>
    %dma_wait3A_203 = tpu.memref_squeeze %dma_wait3A_202 : memref<1x128x16xf32, #tpu.memory_space<vmem>> -> memref<128x16xf32, #tpu.memory_space<vmem>>
    %dma_wait3A_204 = arith.constant 0 : i32
    %dma_wait3A_205 = arith.constant 0 : i32
    %dma_wait3A_206 = tpu.memref_slice %arg4[%dma_wait3A_204, %dma_wait3A_205] : memref<1331200x16xf32, #tpu.memory_space<hbm>> -> memref<128x16xf32, #tpu.memory_space<hbm>>
    %dma_wait3A_207 = arith.constant 0 : i32
    %dma_wait3A_208 = arith.constant 0 : i32
    %dma_wait3A_209 = tpu.memref_slice %arg4[%dma_wait3A_207, %dma_wait3A_208] : memref<1331200x16xf32, #tpu.memory_space<hbm>> -> memref<128x16xf32, #tpu.memory_space<hbm>>
    %dma_wait3A_210 = arith.constant 0 : i32
    %dma_wait3A_211 = arith.constant 0 : i32
    %dma_wait3A_212 = tpu.memref_slice %arg6[%dma_wait3A_199, %dma_wait3A_210, %dma_wait3A_211] : memref<13x128x16xf32, #tpu.memory_space<vmem>> -> memref<1x128x16xf32, #tpu.memory_space<vmem>>
    %dma_wait3A_213 = tpu.memref_squeeze %dma_wait3A_212 : memref<1x128x16xf32, #tpu.memory_space<vmem>> -> memref<128x16xf32, #tpu.memory_space<vmem>>
    tpu.wait_dma2 semaphore(%arg28 : memref<!tpu.dma_semaphore, #tpu.memory_space<semaphore_mem>>) src(%dma_wait3A_213 : memref<128x16xf32, #tpu.memory_space<vmem>>) dst(%dma_wait3A_209 : memref<128x16xf32, #tpu.memory_space<hbm>>)
    %dma_wait3A_214 = arith.constant 8 : i32
    %dma_wait3A_215 = arith.constant 0 : i32
    %dma_wait3A_216 = arith.constant 0 : i32
    %dma_wait3A_217 = tpu.memref_slice %arg6[%dma_wait3A_214, %dma_wait3A_215, %dma_wait3A_216] : memref<13x128x16xf32, #tpu.memory_space<vmem>> -> memref<1x128x16xf32, #tpu.memory_space<vmem>>
    %dma_wait3A_218 = tpu.memref_squeeze %dma_wait3A_217 : memref<1x128x16xf32, #tpu.memory_space<vmem>> -> memref<128x16xf32, #tpu.memory_space<vmem>>
    %dma_wait3A_219 = arith.constant 0 : i32
    %dma_wait3A_220 = arith.constant 0 : i32
    %dma_wait3A_221 = tpu.memref_slice %arg4[%dma_wait3A_219, %dma_wait3A_220] : memref<1331200x16xf32, #tpu.memory_space<hbm>> -> memref<128x16xf32, #tpu.memory_space<hbm>>
    %dma_wait3A_222 = arith.constant 0 : i32
    %dma_wait3A_223 = arith.constant 0 : i32
    %dma_wait3A_224 = tpu.memref_slice %arg4[%dma_wait3A_222, %dma_wait3A_223] : memref<1331200x16xf32, #tpu.memory_space<hbm>> -> memref<128x16xf32, #tpu.memory_space<hbm>>
    %dma_wait3A_225 = arith.constant 0 : i32
    %dma_wait3A_226 = arith.constant 0 : i32
    %dma_wait3A_227 = tpu.memref_slice %arg6[%dma_wait3A_214, %dma_wait3A_225, %dma_wait3A_226] : memref<13x128x16xf32, #tpu.memory_space<vmem>> -> memref<1x128x16xf32, #tpu.memory_space<vmem>>
    %dma_wait3A_228 = tpu.memref_squeeze %dma_wait3A_227 : memref<1x128x16xf32, #tpu.memory_space<vmem>> -> memref<128x16xf32, #tpu.memory_space<vmem>>
    tpu.wait_dma2 semaphore(%arg29 : memref<!tpu.dma_semaphore, #tpu.memory_space<semaphore_mem>>) src(%dma_wait3A_228 : memref<128x16xf32, #tpu.memory_space<vmem>>) dst(%dma_wait3A_224 : memref<128x16xf32, #tpu.memory_space<hbm>>)
    %dma_wait3A_229 = arith.constant 9 : i32
    %dma_wait3A_230 = arith.constant 0 : i32
    %dma_wait3A_231 = arith.constant 0 : i32
    %dma_wait3A_232 = tpu.memref_slice %arg6[%dma_wait3A_229, %dma_wait3A_230, %dma_wait3A_231] : memref<13x128x16xf32, #tpu.memory_space<vmem>> -> memref<1x128x16xf32, #tpu.memory_space<vmem>>
    %dma_wait3A_233 = tpu.memref_squeeze %dma_wait3A_232 : memref<1x128x16xf32, #tpu.memory_space<vmem>> -> memref<128x16xf32, #tpu.memory_space<vmem>>
    %dma_wait3A_234 = arith.constant 0 : i32
    %dma_wait3A_235 = arith.constant 0 : i32
    %dma_wait3A_236 = tpu.memref_slice %arg4[%dma_wait3A_234, %dma_wait3A_235] : memref<1331200x16xf32, #tpu.memory_space<hbm>> -> memref<128x16xf32, #tpu.memory_space<hbm>>
    %dma_wait3A_237 = arith.constant 0 : i32
    %dma_wait3A_238 = arith.constant 0 : i32
    %dma_wait3A_239 = tpu.memref_slice %arg4[%dma_wait3A_237, %dma_wait3A_238] : memref<1331200x16xf32, #tpu.memory_space<hbm>> -> memref<128x16xf32, #tpu.memory_space<hbm>>
    %dma_wait3A_240 = arith.constant 0 : i32
    %dma_wait3A_241 = arith.constant 0 : i32
    %dma_wait3A_242 = tpu.memref_slice %arg6[%dma_wait3A_229, %dma_wait3A_240, %dma_wait3A_241] : memref<13x128x16xf32, #tpu.memory_space<vmem>> -> memref<1x128x16xf32, #tpu.memory_space<vmem>>
    %dma_wait3A_243 = tpu.memref_squeeze %dma_wait3A_242 : memref<1x128x16xf32, #tpu.memory_space<vmem>> -> memref<128x16xf32, #tpu.memory_space<vmem>>
    tpu.wait_dma2 semaphore(%arg30 : memref<!tpu.dma_semaphore, #tpu.memory_space<semaphore_mem>>) src(%dma_wait3A_243 : memref<128x16xf32, #tpu.memory_space<vmem>>) dst(%dma_wait3A_239 : memref<128x16xf32, #tpu.memory_space<hbm>>)
    %dma_wait3A_244 = arith.constant 10 : i32
    %dma_wait3A_245 = arith.constant 0 : i32
    %dma_wait3A_246 = arith.constant 0 : i32
    %dma_wait3A_247 = tpu.memref_slice %arg6[%dma_wait3A_244, %dma_wait3A_245, %dma_wait3A_246] : memref<13x128x16xf32, #tpu.memory_space<vmem>> -> memref<1x128x16xf32, #tpu.memory_space<vmem>>
    %dma_wait3A_248 = tpu.memref_squeeze %dma_wait3A_247 : memref<1x128x16xf32, #tpu.memory_space<vmem>> -> memref<128x16xf32, #tpu.memory_space<vmem>>
    %dma_wait3A_249 = arith.constant 0 : i32
    %dma_wait3A_250 = arith.constant 0 : i32
    %dma_wait3A_251 = tpu.memref_slice %arg4[%dma_wait3A_249, %dma_wait3A_250] : memref<1331200x16xf32, #tpu.memory_space<hbm>> -> memref<128x16xf32, #tpu.memory_space<hbm>>
    %dma_wait3A_252 = arith.constant 0 : i32
    %dma_wait3A_253 = arith.constant 0 : i32
    %dma_wait3A_254 = tpu.memref_slice %arg4[%dma_wait3A_252, %dma_wait3A_253] : memref<1331200x16xf32, #tpu.memory_space<hbm>> -> memref<128x16xf32, #tpu.memory_space<hbm>>
    %dma_wait3A_255 = arith.constant 0 : i32
    %dma_wait3A_256 = arith.constant 0 : i32
    %dma_wait3A_257 = tpu.memref_slice %arg6[%dma_wait3A_244, %dma_wait3A_255, %dma_wait3A_256] : memref<13x128x16xf32, #tpu.memory_space<vmem>> -> memref<1x128x16xf32, #tpu.memory_space<vmem>>
    %dma_wait3A_258 = tpu.memref_squeeze %dma_wait3A_257 : memref<1x128x16xf32, #tpu.memory_space<vmem>> -> memref<128x16xf32, #tpu.memory_space<vmem>>
    tpu.wait_dma2 semaphore(%arg31 : memref<!tpu.dma_semaphore, #tpu.memory_space<semaphore_mem>>) src(%dma_wait3A_258 : memref<128x16xf32, #tpu.memory_space<vmem>>) dst(%dma_wait3A_254 : memref<128x16xf32, #tpu.memory_space<hbm>>)
    %dma_wait3A_259 = arith.constant 11 : i32
    %dma_wait3A_260 = arith.constant 0 : i32
    %dma_wait3A_261 = arith.constant 0 : i32
    %dma_wait3A_262 = tpu.memref_slice %arg6[%dma_wait3A_259, %dma_wait3A_260, %dma_wait3A_261] : memref<13x128x16xf32, #tpu.memory_space<vmem>> -> memref<1x128x16xf32, #tpu.memory_space<vmem>>
    %dma_wait3A_263 = tpu.memref_squeeze %dma_wait3A_262 : memref<1x128x16xf32, #tpu.memory_space<vmem>> -> memref<128x16xf32, #tpu.memory_space<vmem>>
    %dma_wait3A_264 = arith.constant 0 : i32
    %dma_wait3A_265 = arith.constant 0 : i32
    %dma_wait3A_266 = tpu.memref_slice %arg4[%dma_wait3A_264, %dma_wait3A_265] : memref<1331200x16xf32, #tpu.memory_space<hbm>> -> memref<128x16xf32, #tpu.memory_space<hbm>>
    %dma_wait3A_267 = arith.constant 0 : i32
    %dma_wait3A_268 = arith.constant 0 : i32
    %dma_wait3A_269 = tpu.memref_slice %arg4[%dma_wait3A_267, %dma_wait3A_268] : memref<1331200x16xf32, #tpu.memory_space<hbm>> -> memref<128x16xf32, #tpu.memory_space<hbm>>
    %dma_wait3A_270 = arith.constant 0 : i32
    %dma_wait3A_271 = arith.constant 0 : i32
    %dma_wait3A_272 = tpu.memref_slice %arg6[%dma_wait3A_259, %dma_wait3A_270, %dma_wait3A_271] : memref<13x128x16xf32, #tpu.memory_space<vmem>> -> memref<1x128x16xf32, #tpu.memory_space<vmem>>
    %dma_wait3A_273 = tpu.memref_squeeze %dma_wait3A_272 : memref<1x128x16xf32, #tpu.memory_space<vmem>> -> memref<128x16xf32, #tpu.memory_space<vmem>>
    tpu.wait_dma2 semaphore(%arg32 : memref<!tpu.dma_semaphore, #tpu.memory_space<semaphore_mem>>) src(%dma_wait3A_273 : memref<128x16xf32, #tpu.memory_space<vmem>>) dst(%dma_wait3A_269 : memref<128x16xf32, #tpu.memory_space<hbm>>)
    %dma_wait3A_274 = arith.constant 12 : i32
    %dma_wait3A_275 = arith.constant 0 : i32
    %dma_wait3A_276 = arith.constant 0 : i32
    %dma_wait3A_277 = tpu.memref_slice %arg6[%dma_wait3A_274, %dma_wait3A_275, %dma_wait3A_276] : memref<13x128x16xf32, #tpu.memory_space<vmem>> -> memref<1x128x16xf32, #tpu.memory_space<vmem>>
    %dma_wait3A_278 = tpu.memref_squeeze %dma_wait3A_277 : memref<1x128x16xf32, #tpu.memory_space<vmem>> -> memref<128x16xf32, #tpu.memory_space<vmem>>
    %dma_wait3A_279 = arith.constant 0 : i32
    %dma_wait3A_280 = arith.constant 0 : i32
    %dma_wait3A_281 = tpu.memref_slice %arg4[%dma_wait3A_279, %dma_wait3A_280] : memref<1331200x16xf32, #tpu.memory_space<hbm>> -> memref<128x16xf32, #tpu.memory_space<hbm>>
    %dma_wait3A_282 = arith.constant 0 : i32
    %dma_wait3A_283 = arith.constant 0 : i32
    %dma_wait3A_284 = tpu.memref_slice %arg4[%dma_wait3A_282, %dma_wait3A_283] : memref<1331200x16xf32, #tpu.memory_space<hbm>> -> memref<128x16xf32, #tpu.memory_space<hbm>>
    %dma_wait3A_285 = arith.constant 0 : i32
    %dma_wait3A_286 = arith.constant 0 : i32
    %dma_wait3A_287 = tpu.memref_slice %arg6[%dma_wait3A_274, %dma_wait3A_285, %dma_wait3A_286] : memref<13x128x16xf32, #tpu.memory_space<vmem>> -> memref<1x128x16xf32, #tpu.memory_space<vmem>>
    %dma_wait3A_288 = tpu.memref_squeeze %dma_wait3A_287 : memref<1x128x16xf32, #tpu.memory_space<vmem>> -> memref<128x16xf32, #tpu.memory_space<vmem>>
    tpu.wait_dma2 semaphore(%arg33 : memref<!tpu.dma_semaphore, #tpu.memory_space<semaphore_mem>>) src(%dma_wait3A_288 : memref<128x16xf32, #tpu.memory_space<vmem>>) dst(%dma_wait3A_284 : memref<128x16xf32, #tpu.memory_space<hbm>>)
    return
  }
}

</mosaic_0001>

<sc_bundles>
// kernel: kernel.3.cloned.1.call-start
scs
__scs_entry_jumppad:
0x0: {  	(pc) =	sbr.rel $0x88, $3  }
0x1: {  	(tag) =	ssettag $0x0;
	lr =	simm.s32 $0x1  }
0x2: {  	[smem:$0x3F9F] =	sst lr;
	_ =	strace $0xD0000000  }
0x3: {  	_ = 	snop  }
0x4: {  	_ = 	snop  }
0x5: {  	_ = 	snop  }
0x6: {  	_ = 	snop  }
0x7: {  	_ = 	snop  }
__scs_overlays_trampoline_lowered:
0x8: {  	[smem:$0x3FAE] =	sst s0  }
0x9: {  	[smem:$0x3FAF] =	sst s1  }
0xa: {  	[smem:$0x3FB0] =	sst s2  }
0xb: {  	[smem:$0x3FB1] =	sst s3  }
0xc: {  	[smem:$0x3FB2] =	sst s4  }
0xd: {  	[smem:$0x3FB3] =	sst s5  }
0xe: {  	[smem:$0x3FB4] =	sst s6  }
0xf: {  	[smem:$0x3FB5] =	sst s7  }
0x10: {  	[smem:$0x3FB6] =	sst s8  }
0x11: {  	[smem:$0x3FB7] =	sst s9;
	s0 =	simm.s32 @!p0 $0x0  }
0x12: {  	s1 =	sld [smem:$0x3F9D];
	s0 =	simm.s32 @p0 $0x1  }
0x13: {  	[smem:$0x3FB8] =	sst s0;
	s0 =	simm.s32 @!p1 $0x0  }
0x14: {  	s2 =	sld [smem:$0x3F9C];
	s0 =	simm.s32 @p1 $0x1  }
0x15: {  	[smem:$0x3FB9] =	sst s0;
	s0 =	simm.s32 @!p2 $0x0  }
0x16: {  	s3 =	sld [smem:$0x3FDB];
	s0 =	simm.s32 @p2 $0x1  }
0x17: {  	s4 =	simm.s32 $0x1BF5;
	[smem:$0x3FBB] =	sst s0  }
0x18: {  	s0 =	sld [smem:$0x3F9E];
	_ =	swait.ge [sflag:s4], $0x0  }
0x19: {  	s7 =	sld [smem:$0x3F9F]  }
0x1a: {  	s8 =	sadd.s32 $0xFFFFE003, lr  }
0x1b: {  	s9 =	sadd.s32 $0xFFFFFEF7, lr;
	s5 =	simm.s32 $0xFFFFFFFF;
	p2 =	slt.u32 s8, $0xFFFFF086  }
0x1c: {  	p1 =	slt.u32 s9, $0xF7A;
	s5 =	simm.s32 @!p2 $0x0  }
0x1d: {  	s5 =	simm.s32 @p1 $0x1;
	p0 =	seq.s32 s7, s2  }
0x1e: {  	s7 =	smul.u32 @!p0 $0xF7A, s2;
	p2 =	seq.s32 @!p0 s5, $0x0  }
0x1f: {  	s9 =	smul.u32 $0xF7A, s1;
	s8 =	simm.s32 @!p0 $0x1BF5;
	p2 =	por !p2, p0  }
0x20: {  	[sflag:s8] =	ssyncset.s32 @!p0 $0xFFFFF086;
	s6 =	sadd.s32 @!p0 s3, s7;
	s7 =	simm.s32 @!p0 $0x108  }
0x21: {  	s3 =	sadd.s32 s3, s9;
	s6 =	sadd.s32 @!p0 $0x88, s6;
	s7 =	simm.s32 @p2 $0x1082  }
0x22: {  	[simem:s7], [sflag:s8] =	dma.local @!p0 [hbm:s6], $0xF7A  }
0x23: {  	s9 =	sor.u32 $0xD0000000, s2;
	s6 =	simm.s32 $0x108;
	_ =	swait.ge @!p0 [sflag:s8], $0x0  }
0x24: {  	s3 =	sadd.s32 $0x88, s3;
	s6 =	simm.s32 @!p1 $0x1082;
	[sflag:s4] =	ssyncset.s32 $0xFFFFF086  }
0x25: {  	[simem:s6], [sflag:s4] =	dma.local [hbm:s3], $0xF7A  }
0x26: {  	[smem:$0x3F9F] =	sst s1;
	(tag) =	ssettag s2;
	_ =	strace s9  }
0x27: {  	s1 =	sld [smem:$0x3FAF]  }
0x28: {  	s2 =	sld [smem:$0x3FB0]  }
0x29: {  	s4 =	sld [smem:$0x3FB2]  }
0x2a: {  	p0 =	seq.s32 s5, $0x0;
	s5 =	sld [smem:$0x3FB3]  }
0x2b: {  	s6 =	sld [smem:$0x3FB4]  }
0x2c: {  	s7 =	sld [smem:$0x3FB5]  }
0x2d: {  	s3 =	simm.s32 $0x108;
	s8 =	sld [smem:$0x3FB6]  }
0x2e: {  	s3 =	simm.s32 @!p0 $0x1082;
	s9 =	sld [smem:$0x3FB7]  }
0x2f: {  	lr =	sadd.s32 s0, s3;
	s0 =	sld [smem:$0x3FAE]  }
0x30: {  	s3 =	sld [smem:$0x3FB1]  }
0x31: {  	[smem:$0x3FBA] =	sst s10  }
0x32: {  	s10 =	sld [smem:$0x3FB8];
	_ =	sdelay $0x3  }
0x33: {  	p0 =	seq.s32 s10, $0x1;
	s10 =	sld [smem:$0x3FBA];
	_ =	sdelay $0x3  }
0x34: {  	[smem:$0x3FBA] =	sst s10  }
0x35: {  	s10 =	sld [smem:$0x3FB9];
	_ =	sdelay $0x3  }
0x36: {  	p1 =	seq.s32 s10, $0x1;
	s10 =	sld [smem:$0x3FBA];
	_ =	sdelay $0x3  }
0x37: {  	[smem:$0x3FBA] =	sst s10  }
0x38: {  	s10 =	sld [smem:$0x3FBB]  }
0x39: {  	_ = 	snop;
	(pc) =	sbr.ind lr, $3  }
0x3a: {  	_ = 	snop  }
0x3b: {  	_ = 	snop  }
0x3c: {  	p2 =	seq.s32 s10, $0x1;
	s10 =	sld [smem:$0x3FBA]  }
0x3d: {  	_ =	shalt  }
0x3e: {  	_ =	shalt  }
0x3f: {  	_ =	shalt  }
0x40: {  	_ =	shalt  }
0x41: {  	_ =	shalt  }
0x42: {  	_ =	shalt  }
0x43: {  	_ =	shalt  }
0x44: {  	_ =	shalt  }
0x45: {  	_ =	shalt  }
0x46: {  	_ =	shalt  }
0x47: {  	_ =	shalt  }
0x48: {  	_ =	shalt  }
0x49: {  	_ =	shalt  }
0x4a: {  	_ =	shalt  }
0x4b: {  	_ =	shalt  }
0x4c: {  	_ =	shalt  }
0x4d: {  	_ =	shalt  }
0x4e: {  	_ =	shalt  }
0x4f: {  	_ =	shalt  }
0x50: {  	_ =	shalt  }
0x51: {  	_ =	shalt  }
0x52: {  	_ =	shalt  }
0x53: {  	_ =	shalt  }
0x54: {  	_ =	shalt  }
0x55: {  	_ =	shalt  }
0x56: {  	_ =	shalt  }
0x57: {  	_ =	shalt  }
0x58: {  	_ =	shalt  }
0x59: {  	_ =	shalt  }
0x5a: {  	_ =	shalt  }
0x5b: {  	_ =	shalt  }
0x5c: {  	_ =	shalt  }
0x5d: {  	_ =	shalt  }
0x5e: {  	_ =	shalt  }
0x5f: {  	_ =	shalt  }
0x60: {  	_ =	shalt  }
0x61: {  	_ =	shalt  }
0x62: {  	_ =	shalt  }
0x63: {  	_ =	shalt  }
0x64: {  	_ =	shalt  }
0x65: {  	_ =	shalt  }
0x66: {  	_ =	shalt  }
0x67: {  	_ =	shalt  }
0x68: {  	_ =	shalt  }
0x69: {  	_ =	shalt  }
0x6a: {  	_ =	shalt  }
0x6b: {  	_ =	shalt  }
0x6c: {  	_ =	shalt  }
0x6d: {  	_ =	shalt  }
0x6e: {  	_ =	shalt  }
0x6f: {  	_ =	shalt  }
0x70: {  	_ =	shalt  }
0x71: {  	_ =	shalt  }
0x72: {  	_ =	shalt  }
0x73: {  	_ =	shalt  }
0x74: {  	_ =	shalt  }
0x75: {  	_ =	shalt  }
0x76: {  	_ =	shalt  }
0x77: {  	_ =	shalt  }
0x78: {  	_ =	shalt  }
0x79: {  	_ =	shalt  }
0x7a: {  	_ =	shalt  }
0x7b: {  	_ =	shalt  }
0x7c: {  	_ =	shalt  }
0x7d: {  	_ =	shalt  }
0x7e: {  	_ =	shalt  }
0x7f: {  	_ =	shalt  }
0x80: {  	_ =	shalt  }
0x81: {  	_ =	shalt  }
0x82: {  	_ =	shalt  }
0x83: {  	_ =	shalt  }
0x84: {  	_ =	shalt  }
0x85: {  	_ =	shalt  }
0x86: {  	_ =	shalt  }
0x87: {  	_ =	shalt  }
.Lfunc_end0:
.L_simem_size_0:
called_computation.1_lowered:
.L_overlay_start_0:
0x88: {  	s2 =	sld [smem:$0x3FD9]  }
0x89: {  	s3 =	sld [smem:$0x3FFE];
	_ =	sdelay $0x1  }
0x8a: {  	s1 =	srdreg.scid  }
0x8b: {  	s0 =	sand.u32 $0x1, s1  }
0x8c: {  	s17 =	sshll.u32 s0, $0xA;
	s2 =	sadd.s32 s3, s2  }
0x8d: {  	s2 =	sadd.s32 s2, s17  }
0x8e: {  	[smem:$0x3FC6] =	sst s2  }
0x8f: {  	_ = 	snop  }
0x90: {  	s2 =	sld [smem:$0x3FD0];
	(tm) =	ssettm $0x1  }
0x91: {  	s18 =	sld [smem:$0x3FFB];
	_ =	sdelay $0x3  }
0x92: {  	_ =	strace s18  }
0x93: {  	s3 =	sld [smem:$0x3FFC];
	_ =	sdelay $0x3  }
0x94: {  	_ =	strace s3  }
0x95: {  	s3 =	sld [smem:$0x3FFD];
	_ =	sdelay $0x3  }
0x96: {  	_ =	strace s3  }
0x97: {  	_ =	strace $0x8FFFFFFF  }
0x98: {  	s19 =	sld [smem:$0x3FDB];
	_ =	sdelay $0x1  }
0x99: {  	s4 =	simm.s32 $_scs_section_size  }
0x9a: {  	s5 =	simm.s32 $_size__tile_overlayer_lowered;
	s6 =	simm.s32 $_tile_overlayer_lowered  }
0x9b: {  	s22 =	simm.s32 $0x1BFF;
	s21 =	sshll.u32 s6, $0x1;
	s3 =	sadd.s32 s4, s19  }
0x9c: {  	s7 =	simm.s32 $0x0;
	s20 =	sshll.u32 s5, $0x1;
	s5 =	sadd.s32 s21, s3  }
0x9d: {  	[timem:s7], [sflag:s22] =	dma.local [hbm:s5], s20  }
0x9e: {  	_ =	swait.ge [sflag:s22], s20  }
0x9f: {  	s4 =	ssub.s32 $0x0, s20;
	[sflag:s22] =	ssyncset.done $0x0  }
0xa0: {  	[sflag:s22] =	ssyncadd.s32 s4;
	_ =	sdelay $0x1  }
0xa1: {  	s23 =	simm.s32 $0x1B8B  }
0xa2: {  	_ =	swait.ge [sflag:s23], $0x1  }
0xa3: {  	[sflag:s23] =	ssyncset.done $0x0  }
0xa4: {  	s25 =	simm.s32 $0x1B8E;
	s24 =	sld [smem:$0x3FFE];
	[sflag:s23] =	ssyncadd.s32 $0xFFFFFFFF  }
0xa5: {  	s26 =	simm.s32 $execute0_lowered;
	[smem:$0x3FD2] =	sst s25  }
0xa6: {  	s5 =	sshll.u32 s26, $0x1;
	_ =	strace $0x80000046;
	[dreg:$0x1] =	wrdreg $0xFFFFFFFF  }
0xa7: {  	s28 =	simm.s32 $_size_execute0_lowered;
	s3 =	sadd.s32 s3, s5;
	[dreg:$0x0] =	wrdreg $0x0  }
0xa8: {  	s5 =	sshll.u32 s28, $0x1;
	[dreg:$0x2] =	wrdreg s3  }
0xa9: {  	[dreg:$0x3] =	wrdreg s5  }
0xaa: {  	[dreg:$0x4] =	wrdreg $0xC0  }
0xab: {  	_ =	task [dreg:s7], $0x5FFFF  }
0xac: {  	[dreg:$0x1] =	wrdreg $0xFFFFFFFF  }
0xad: {  	[dreg:$0x0] =	wrdreg $0x60  }
0xae: {  	[dreg:$0x2] =	wrdreg s24  }
0xaf: {  	[dreg:$0x3] =	wrdreg s2  }
0xb0: {  	[dreg:$0x4] =	wrdreg $0x10A800  }
0xb1: {  	[dreg:$0x5] =	wrdreg $0x9  }
0xb2: {  	_ =	task.clear_ibuf [dreg:s7], $0x6FFFF;
	_ =	strace $0x90000046  }
0xb3: {  	s29 =	simm.s32 $0x9;
	_ =	strace $0x80000048  }
0xb4: {  	_ =	swait.ge [sflag:s29], $0x1  }
0xb5: {  	[sflag:s29] =	ssyncadd.s32 $0xFFFFFFFF  }
0xb6: {  	_ =	strace $0x90000048  }
0xb7: {  	_ =	sfence  }
0xb8: {  	s30 =	sld [smem:$0x0];
	_ =	sdelay $0x2  }
0xb9: {  	s31 =	sshll.u32 s1, $0xD;
	s1 =	sshrl.u32 s1, $0x2  }
0xba: {  	s3 =	sand.u32 $0x4000, s31;
	s1 =	sadd.s32 s1, s30  }
0xbb: {  	s0 =	sor.u32 s3, s0;
	s1 =	sshll.u32 s1, $0x11  }
0xbc: {  	s0 =	sor.u32 s1, s0  }
0xbd: {  	s0 =	sadd.s32 $0x8F2B, s0  }
0xbe: {  	[sflag:s0] =	ssyncadd.remote.s32 $0x1  }
0xbf: {  	_ =	sfence.sel $0xFFFF  }
0xc0: {  	[dreg:$0x0] =	wrdreg $0xFFFFFFFF;
	(pc) =	sbr.abs _section_cstart, $3  }
0xc1: {  	[dreg:$0x1] =	wrdreg $0xFFFFFFFF  }
0xc2: {  	_ =	task.clear_ibuf [dreg:s7], $0x2FFFF;
	_ =	strace $0x9FFFFFFF  }
0xc3: {  	(tm) =	ssettm $0x7FFFFFFF  }
tec
execute0_lowered:
.L_overlay_start_1:
0x0: {  	(tag) =	ssettag $0x1  }
0x1: {  	s0 =	rddreg [dreg:$0x0]  }
0x2: {  	s3 =	rddreg [dreg:$0x2]  }
0x3: {  	s4 =	simm.s32 $0x0;
	s10 =	stileid.u32;
	s1 =	srdreg.scid  }
0x4: {  	s30 =	simm.s32 $0xDA80;
	s29 =	simm.s32 $0x6;
	s31 =	simm.s32 $0x10280  }
0x5: {  	s28 =	simm.s32 $0x8;
	s2 =	smul.u32 $0x6590, s10;
	s1 =	sand.u32 $0x1, s1  }
0x6: {  	s5 =	sshll.u32 s10, $0x1;
	[smem:$0x7FF] =	sst s4;
	s8 =	smul.u32 $0x28A, s10  }
0x7: {  	s26 =	sshll.u32 s10, $0x6;
	s20 =	smul.u32 $0x28A00, s10;
	s5 =	sor.u32 s1, s5  }
0x8: {  	_ =	strace $0x80000047;
	s7 =	ssub.s32 $0x2, s1;
	s9 =	smul.u32 $0x145, s1  }
0x9: {  	s11 =	sor.u32 $0x1C1B, s26;
	s1 =	smul.u32 $0x14500, s1;
	s6 =	sshrl.u32 s2, $0x3  }
0xa: {  	s5 =	smul.u32 $0x1450, s5;
	s25 =	sshrl.u32 s7, $0x1;
	s2 =	sadd.s32 s2, s3  }
0xb: {  	[dreg:$0x5] =	wrdreg s11;
	s6 =	sadd.s32 s6, s0;
	s1 =	sadd.s32 s1, s20  }
0xc: {  	s12 =	sadd.s32 s9, s8;
	s26 =	sshrl.u32 s2, $0x3;
	[dreg:$0x13] =	wrdreg s1  }
0xd: {  	s0 =	sadd.s32 s5, s0;
	s6 =	sadd.s32 $0xA00, s6;
	[dreg:$0x15] =	wrdreg s26  }
0xe: {  	s5 =	ssub.s32 s7, s25;
	[dreg:$0x4] =	wrdreg s6;
	s0 =	sadd.s32 $0xD600, s0  }
0xf: {  	s14 =	sshll.u32 s12, $0x8;
	s13 =	smax.u32 s5, $0x1;
	[dreg:$0x6] =	wrdreg s0  }
0x10: {  	s10 =	simm.s32 $0xA;
	s15 =	sadd.s32 $0x600, s14;
	[dreg:$0x7] =	wrdreg s13  }
0x11: {  	s11 =	simm.s32 $0xB;
	s16 =	sadd.s32 $0x500, s14;
	[dreg:$0x8] =	wrdreg s15  }
0x12: {  	s2 =	simm.s32 $0x1;
	s17 =	sadd.s32 $0x400, s14;
	[dreg:$0x9] =	wrdreg s16  }
0x13: {  	s8 =	simm.s32 $0xEA80;
	s18 =	sadd.s32 $0x300, s14;
	[dreg:$0xa] =	wrdreg s17  }
0x14: {  	s9 =	simm.s32 $0x9;
	s19 =	sadd.s32 $0x200, s14;
	[dreg:$0xb] =	wrdreg s18  }
0x15: {  	s7 =	simm.s32 $0x3;
	s6 =	sadd.s32 $0x100, s14;
	[dreg:$0xc] =	wrdreg s19  }
0x16: {  	s26 =	simm.s32 $0xFA80;
	s21 =	sadd.s32 $0xC00, s14;
	[dreg:$0xd] =	wrdreg s6  }
0x17: {  	s1 =	simm.s32 $0x7;
	s22 =	sadd.s32 $0xB00, s14;
	[dreg:$0xe] =	wrdreg s21  }
0x18: {  	s12 =	simm.s32 $0xC;
	s23 =	sadd.s32 $0xA00, s14;
	[dreg:$0xf] =	wrdreg s22  }
0x19: {  	s24 =	sadd.s32 $0x900, s14;
	s25 =	sadd.s32 $0x800, s14;
	[dreg:$0x10] =	wrdreg s23  }
.Ltmp0:
0x1a: {  	s5 =	simm.s32 $0x2;
	[dreg:$0x11] =	wrdreg s24;
	(pc) =	sbr.rel .LBB2_1-.Ltmp0, $4  }
0x1b: {  	[dreg:$0x12] =	wrdreg s25;
	s0 =	sadd.s32 $0x700, s14;
	s24 =	simm.s32 $0x80  }
0x1c: {  	s6 =	simm.s32 $0xE280;
	s22 =	simm.s32 $0x4;
	s23 =	simm.s32 $0xF280  }
0x1d: {  	s25 =	simm.s32 $0x5;
	s13 =	simm.s32 $0xD;
	s14 =	simm.s32 $0x14  }
0x1e: {  	s17 =	simm.s32 $0x0;
	[dreg:$0x14] =	wrdreg s0;
	s0 =	simm.s32 $0xD280  }
.LBB2_4:
0x1f: {  	s15 =	simm.s32 $0xE  }
0x20: {  	_ =	swait.ge [sflag:s15], $0x800  }
0x21: {  	[sflag:s15] =	ssyncset.done $0x0  }
0x22: {  	s17 =	simm.s32 $0xF;
	[sflag:s15] =	ssyncadd.s32 $0xFFFFF800  }
0x23: {  	_ =	swait.ge [sflag:s17], $0x800  }
0x24: {  	[sflag:s17] =	ssyncset.done $0x0  }
0x25: {  	s18 =	simm.s32 $0x10;
	[sflag:s17] =	ssyncadd.s32 $0xFFFFF800  }
0x26: {  	_ =	swait.ge [sflag:s18], $0x800  }
0x27: {  	[sflag:s18] =	ssyncset.done $0x0  }
0x28: {  	s19 =	simm.s32 $0x11;
	[sflag:s18] =	ssyncadd.s32 $0xFFFFF800  }
0x29: {  	_ =	swait.ge [sflag:s19], $0x800  }
0x2a: {  	[sflag:s19] =	ssyncset.done $0x0  }
0x2b: {  	s20 =	simm.s32 $0x12;
	[sflag:s19] =	ssyncadd.s32 $0xFFFFF800  }
0x2c: {  	_ =	swait.ge [sflag:s20], $0x800  }
0x2d: {  	[sflag:s20] =	ssyncset.done $0x0  }
0x2e: {  	s21 =	simm.s32 $0x13;
	[sflag:s20] =	ssyncadd.s32 $0xFFFFF800  }
0x2f: {  	_ =	swait.ge [sflag:s21], $0x800  }
0x30: {  	[sflag:s21] =	ssyncset.done $0x0  }
0x31: {  	[sflag:s21] =	ssyncadd.s32 $0xFFFFF800  }
0x32: {  	_ =	swait.ge [sflag:s14], $0x800  }
0x33: {  	[sflag:s14] =	ssyncset.done $0x0  }
0x34: {  	s16 =	simm.s32 $0x15;
	[sflag:s14] =	ssyncadd.s32 $0xFFFFF800  }
0x35: {  	_ =	swait.ge [sflag:s16], $0x800  }
0x36: {  	[sflag:s16] =	ssyncset.done $0x0  }
0x37: {  	s17 =	simm.s32 $0x16;
	[sflag:s16] =	ssyncadd.s32 $0xFFFFF800  }
0x38: {  	_ =	swait.ge [sflag:s17], $0x800  }
0x39: {  	[sflag:s17] =	ssyncset.done $0x0  }
0x3a: {  	s18 =	simm.s32 $0x17;
	[sflag:s17] =	ssyncadd.s32 $0xFFFFF800  }
0x3b: {  	_ =	swait.ge [sflag:s18], $0x800  }
0x3c: {  	[sflag:s18] =	ssyncset.done $0x0  }
0x3d: {  	s19 =	simm.s32 $0x18;
	[sflag:s18] =	ssyncadd.s32 $0xFFFFF800  }
0x3e: {  	_ =	swait.ge [sflag:s19], $0x800  }
0x3f: {  	[sflag:s19] =	ssyncset.done $0x0  }
0x40: {  	s20 =	simm.s32 $0x19;
	[sflag:s19] =	ssyncadd.s32 $0xFFFFF800  }
0x41: {  	_ =	swait.ge [sflag:s20], $0x800  }
0x42: {  	[sflag:s20] =	ssyncset.done $0x0  }
0x43: {  	s16 =	simm.s32 $0x1A;
	[sflag:s20] =	ssyncadd.s32 $0xFFFFF800  }
0x44: {  	_ =	swait.ge [sflag:s16], $0x800  }
0x45: {  	s17 =	rddreg [dreg:$0x16]  }
0x46: {  	s21 =	rddreg [dreg:$0x7];
	s17 =	sadd.s32 $0x1, s17  }
0x47: {  	p0 =	sne.s32 s17, s21  }
.Ltmp1:
0x48: {  	_ = 	snop;
	(pc) =	sbr.rel @!p0 .LBB2_5-.Ltmp1, $3  }
0x49: {  	_ =	sdelay $0x1  }
0x4a: {  	[sflag:s16] =	ssyncset.done $0x0  }
0x4b: {  	[sflag:s16] =	ssyncadd.s32 $0xFFFFF800  }
.LBB2_1:
0x4c: {  	[dreg:$0x16] =	wrdreg s17  }
0x4d: {  	s15 =	rddreg [dreg:$0x4]  }
0x4e: {  	s16 =	rddreg [dreg:$0x5]  }
0x4f: {  	s19 =	rddreg [dreg:$0x15];
	s20 =	simm.s32 $0x1B  }
0x50: {  	[spmem:s19], [sflag:s16] =	dma.local [hbm:s15], $0xCB2  }
0x51: {  	_ =	swait.ge [sflag:s20], $0xCB2  }
0x52: {  	[sflag:s20] =	ssyncset.done $0x0  }
0x53: {  	s21 =	rddreg [dreg:$0x6];
	[sflag:s20] =	ssyncadd.s32 $0xFFFFF34E  }
0x54: {  	[tilespmem:s4], [sflag:$0x1B] =	stream.linear.gather [hbm4b:s21+s4], $0xA280, $0x38;
	[tilespmem:$0x17010] =	vst v63  }
0x55: {  	_ =	swait.ge [sflag:s20], $0xA280  }
0x56: {  	[sflag:s20] =	ssyncset.done $0x0  }
0x57: {  	[sflag:s20] =	ssyncadd.s32 $0xFFFF5D80  }
0x58: {  	s16 =	simm.s32 $0xA280;
	[bflag:$0x0] =	sbarrier.arrive $0xFFFF  }
0x59: {  	[tilespmem:s16], [sflag:$0x1] =	stream.indirect.gather [spmem:s3], $0x10, s4, s24, $0xb8;
	[tilespmem:$0x17010] =	vst v63  }
0x5a: {  	s17 =	simm.s32 $0xAA80  }
0x5b: {  	[tilespmem:s17], [sflag:$0x2] =	stream.indirect.gather [spmem:s3], $0x10, s24, s24, $0xb8;
	[tilespmem:$0x17010] =	vst v63  }
0x5c: {  	s18 =	simm.s32 $0x100;
	s19 =	simm.s32 $0xB280  }
0x5d: {  	[tilespmem:s19], [sflag:$0x3] =	stream.indirect.gather [spmem:s3], $0x10, s18, s24, $0xb8;
	[tilespmem:$0x17010] =	vst v63  }
0x5e: {  	s21 =	simm.s32 $0xBA80;
	s20 =	simm.s32 $0x180  }
0x5f: {  	[tilespmem:s21], [sflag:$0x4] =	stream.indirect.gather [spmem:s3], $0x10, s20, s24, $0xb8;
	[tilespmem:$0x17010] =	vst v63  }
0x60: {  	s17 =	simm.s32 $0x200;
	s18 =	simm.s32 $0xC280  }
0x61: {  	[tilespmem:s18], [sflag:$0x5] =	stream.indirect.gather [spmem:s3], $0x10, s17, s24, $0xb8;
	[tilespmem:$0x17010] =	vst v63  }
0x62: {  	s19 =	simm.s32 $0x280;
	s20 =	simm.s32 $0xCA80  }
0x63: {  	[tilespmem:s20], [sflag:$0x6] =	stream.indirect.gather [spmem:s3], $0x10, s19, s24, $0xb8;
	[tilespmem:$0x17010] =	vst v63  }
0x64: {  	s15 =	rddreg [dreg:$0x1];
	s16 =	simm.s32 $0x0;
	s21 =	simm.s32 $0x300  }
0x65: {  	[tilespmem:s0], [sflag:$0x7] =	stream.indirect.gather [spmem:s3], $0x10, s21, s24, $0xb8;
	[tilespmem:$0x17010] =	vst v63  }
.LBB2_2:
0x66: {  	_ =	swait.ge [sflag:s2], $0x800  }
0x67: {  	s18 =	simm.s32 $0xA280;
	[sflag:s2] =	ssyncset.done $0x0;
	s17 =	rddreg [dreg:$0x13]  }
0x68: {  	p0 =	seq.s32 s16, $0x0;
	[sflag:s2] =	ssyncadd.s32 $0xFFFFF800;
	s17 =	sadd.s32 s15, s17  }
0x69: {  	[hbm4b:s17+s4] =	stream.linear.scatter [tilespmem:s18], [sflag:$0xE], $0x800, $0x38;
	[tilespmem:$0x17010] =	vst v63  }
0x6a: {  	s18 =	simm.s32 @!p0 $0x15  }
0x6b: {  	_ =	swait.ge @!p0 [sflag:s18], $0x800  }
0x6c: {  	s17 =	sshra.s32 s16, $0x2;
	[sflag:s18] =	ssyncset.done @!p0 $0x0  }
0x6d: {  	s20 =	sadd.s32 $0x380, s17;
	[sflag:s18] =	ssyncadd.s32 @!p0 $0xFFFFF800  }
0x6e: {  	[tilespmem:s30], [sflag:$0x8] =	stream.indirect.gather [spmem:s3], $0x10, s20, s24, $0xb8;
	[tilespmem:$0x17010] =	vst v63  }
0x6f: {  	_ =	swait.ge [sflag:s5], $0x800  }
0x70: {  	[sflag:s5] =	ssyncset.done $0x0;
	s21 =	rddreg [dreg:$0xd]  }
0x71: {  	s19 =	simm.s32 $0xAA80;
	[sflag:s5] =	ssyncadd.s32 $0xFFFFF800;
	s18 =	sadd.s32 s15, s21  }
0x72: {  	[hbm4b:s18+s4] =	stream.linear.scatter [tilespmem:s19], [sflag:$0xF], $0x800, $0x38;
	[tilespmem:$0x17010] =	vst v63  }
0x73: {  	s18 =	simm.s32 @!p0 $0x16  }
0x74: {  	_ =	swait.ge @!p0 [sflag:s18], $0x800  }
0x75: {  	[sflag:s18] =	ssyncset.done @!p0 $0x0  }
0x76: {  	s19 =	sadd.s32 $0x400, s17;
	[sflag:s18] =	ssyncadd.s32 @!p0 $0xFFFFF800  }
0x77: {  	[tilespmem:s6], [sflag:$0x9] =	stream.indirect.gather [spmem:s3], $0x10, s19, s24, $0xb8;
	[tilespmem:$0x17010] =	vst v63  }
0x78: {  	_ =	swait.ge [sflag:s7], $0x800  }
0x79: {  	[sflag:s7] =	ssyncset.done $0x0;
	s20 =	rddreg [dreg:$0xc]  }
0x7a: {  	s21 =	simm.s32 $0xB280;
	[sflag:s7] =	ssyncadd.s32 $0xFFFFF800;
	s18 =	sadd.s32 s15, s20  }
0x7b: {  	[hbm4b:s18+s4] =	stream.linear.scatter [tilespmem:s21], [sflag:$0x10], $0x800, $0x38;
	[tilespmem:$0x17010] =	vst v63  }
0x7c: {  	s18 =	simm.s32 @!p0 $0x17  }
0x7d: {  	_ =	swait.ge @!p0 [sflag:s18], $0x800  }
0x7e: {  	[sflag:s18] =	ssyncset.done @!p0 $0x0  }
0x7f: {  	s19 =	sadd.s32 $0x480, s17;
	[sflag:s18] =	ssyncadd.s32 @!p0 $0xFFFFF800  }
0x80: {  	[tilespmem:s8], [sflag:$0xA] =	stream.indirect.gather [spmem:s3], $0x10, s19, s24, $0xb8;
	[tilespmem:$0x17010] =	vst v63  }
0x81: {  	_ =	swait.ge [sflag:s22], $0x800  }
0x82: {  	[sflag:s22] =	ssyncset.done $0x0;
	s20 =	rddreg [dreg:$0xb]  }
0x83: {  	s21 =	simm.s32 $0xBA80;
	[sflag:s22] =	ssyncadd.s32 $0xFFFFF800;
	s18 =	sadd.s32 s15, s20  }
0x84: {  	[hbm4b:s18+s4] =	stream.linear.scatter [tilespmem:s21], [sflag:$0x11], $0x800, $0x38;
	[tilespmem:$0x17010] =	vst v63  }
0x85: {  	s18 =	simm.s32 @!p0 $0x18  }
0x86: {  	_ =	swait.ge @!p0 [sflag:s18], $0x800  }
0x87: {  	[sflag:s18] =	ssyncset.done @!p0 $0x0  }
0x88: {  	s19 =	sadd.s32 $0x500, s17;
	[sflag:s18] =	ssyncadd.s32 @!p0 $0xFFFFF800  }
0x89: {  	[tilespmem:s23], [sflag:$0xB] =	stream.indirect.gather [spmem:s3], $0x10, s19, s24, $0xb8;
	[tilespmem:$0x17010] =	vst v63  }
0x8a: {  	_ =	swait.ge [sflag:s25], $0x800  }
0x8b: {  	[sflag:s25] =	ssyncset.done $0x0;
	s20 =	rddreg [dreg:$0xa]  }
0x8c: {  	s21 =	simm.s32 $0xC280;
	[sflag:s25] =	ssyncadd.s32 $0xFFFFF800;
	s18 =	sadd.s32 s15, s20  }
0x8d: {  	[hbm4b:s18+s4] =	stream.linear.scatter [tilespmem:s21], [sflag:$0x12], $0x800, $0x38;
	[tilespmem:$0x17010] =	vst v63  }
0x8e: {  	s18 =	simm.s32 @!p0 $0x19  }
0x8f: {  	_ =	swait.ge @!p0 [sflag:s18], $0x800  }
0x90: {  	[sflag:s18] =	ssyncset.done @!p0 $0x0  }
0x91: {  	s19 =	sadd.s32 $0x580, s17;
	[sflag:s18] =	ssyncadd.s32 @!p0 $0xFFFFF800  }
0x92: {  	[tilespmem:s26], [sflag:$0xC] =	stream.indirect.gather [spmem:s3], $0x10, s19, s24, $0xb8;
	[tilespmem:$0x17010] =	vst v63  }
0x93: {  	_ =	swait.ge [sflag:s29], $0x800  }
0x94: {  	[sflag:s29] =	ssyncset.done $0x0;
	s20 =	rddreg [dreg:$0x9]  }
0x95: {  	s21 =	simm.s32 $0xCA80;
	[sflag:s29] =	ssyncadd.s32 $0xFFFFF800;
	s18 =	sadd.s32 s15, s20  }
0x96: {  	[hbm4b:s18+s4] =	stream.linear.scatter [tilespmem:s21], [sflag:$0x13], $0x800, $0x38;
	[tilespmem:$0x17010] =	vst v63  }
0x97: {  	s18 =	simm.s32 @!p0 $0x1A  }
0x98: {  	_ =	swait.ge @!p0 [sflag:s18], $0x800  }
0x99: {  	[sflag:s18] =	ssyncset.done @!p0 $0x0  }
0x9a: {  	s19 =	sadd.s32 $0x600, s17;
	[sflag:s18] =	ssyncadd.s32 @!p0 $0xFFFFF800  }
0x9b: {  	[tilespmem:s31], [sflag:$0xD] =	stream.indirect.gather [spmem:s3], $0x10, s19, s24, $0xb8;
	[tilespmem:$0x17010] =	vst v63  }
0x9c: {  	_ =	swait.ge [sflag:s1], $0x800  }
0x9d: {  	[sflag:s1] =	ssyncset.done $0x0;
	s20 =	rddreg [dreg:$0x8]  }
0x9e: {  	p0 =	seq.s32 s16, $0x27000;
	[sflag:s1] =	ssyncadd.s32 $0xFFFFF800;
	s18 =	sadd.s32 s15, s20  }
0x9f: {  	[hbm4b:s18+s4] =	stream.linear.scatter [tilespmem:s0], [sflag:$0x14], $0x800, $0x38;
	[tilespmem:$0x17010] =	vst v63  }
0xa0: {  	s18 =	simm.s32 @!p0 $0xE  }
0xa1: {  	_ =	swait.ge @!p0 [sflag:s18], $0x800  }
0xa2: {  	[sflag:s18] =	ssyncset.done @!p0 $0x0  }
0xa3: {  	[sflag:s18] =	ssyncadd.s32 @!p0 $0xFFFFF800;
	s18 =	sshra.s32 @!p0 s16, $0x2  }
0xa4: {  	s21 =	simm.s32 @!p0 $0xA280;
	s20 =	simm.s32 @!p0 $0x80;
	s19 =	sadd.s32 @!p0 $0x680, s18  }
0xa5: {  	[tilespmem:s21], [sflag:$0x1] =	stream.indirect.gather @!p0 [spmem:s3], $0x10, s19, s20, $0xb8;
	[tilespmem:$0x17010] =	vst v63  }
0xa6: {  	_ =	swait.ge [sflag:s28], $0x800  }
0xa7: {  	[sflag:s28] =	ssyncset.done $0x0;
	s21 =	rddreg [dreg:$0x14]  }
0xa8: {  	[sflag:s28] =	ssyncadd.s32 $0xFFFFF800;
	s19 =	sadd.s32 s15, s21  }
0xa9: {  	[hbm4b:s19+s4] =	stream.linear.scatter [tilespmem:s30], [sflag:$0x15], $0x800, $0x38;
	[tilespmem:$0x17010] =	vst v63  }
0xaa: {  	s19 =	simm.s32 @!p0 $0xF  }
0xab: {  	_ =	swait.ge @!p0 [sflag:s19], $0x800  }
0xac: {  	[sflag:s19] =	ssyncset.done @!p0 $0x0  }
0xad: {  	s21 =	simm.s32 @!p0 $0xAA80;
	[sflag:s19] =	ssyncadd.s32 @!p0 $0xFFFFF800;
	s19 =	sadd.s32 @!p0 $0x700, s18  }
0xae: {  	[tilespmem:s21], [sflag:$0x2] =	stream.indirect.gather @!p0 [spmem:s3], $0x10, s19, s20, $0xb8;
	[tilespmem:$0x17010] =	vst v63  }
0xaf: {  	_ =	swait.ge [sflag:s9], $0x800  }
0xb0: {  	[sflag:s9] =	ssyncset.done $0x0;
	s21 =	rddreg [dreg:$0x12]  }
0xb1: {  	[sflag:s9] =	ssyncadd.s32 $0xFFFFF800;
	s19 =	sadd.s32 s15, s21  }
0xb2: {  	[hbm4b:s19+s4] =	stream.linear.scatter [tilespmem:s6], [sflag:$0x16], $0x800, $0x38;
	[tilespmem:$0x17010] =	vst v63  }
0xb3: {  	s19 =	simm.s32 @!p0 $0x10  }
0xb4: {  	_ =	swait.ge @!p0 [sflag:s19], $0x800  }
0xb5: {  	[sflag:s19] =	ssyncset.done @!p0 $0x0  }
0xb6: {  	s21 =	simm.s32 @!p0 $0xB280;
	[sflag:s19] =	ssyncadd.s32 @!p0 $0xFFFFF800;
	s19 =	sadd.s32 @!p0 $0x780, s18  }
0xb7: {  	[tilespmem:s21], [sflag:$0x3] =	stream.indirect.gather @!p0 [spmem:s3], $0x10, s19, s20, $0xb8;
	[tilespmem:$0x17010] =	vst v63  }
0xb8: {  	_ =	swait.ge [sflag:s10], $0x800  }
0xb9: {  	[sflag:s10] =	ssyncset.done $0x0;
	s21 =	rddreg [dreg:$0x11]  }
0xba: {  	[sflag:s10] =	ssyncadd.s32 $0xFFFFF800;
	s19 =	sadd.s32 s15, s21  }
0xbb: {  	[hbm4b:s19+s4] =	stream.linear.scatter [tilespmem:s8], [sflag:$0x17], $0x800, $0x38;
	[tilespmem:$0x17010] =	vst v63  }
0xbc: {  	s19 =	simm.s32 @!p0 $0x11  }
0xbd: {  	_ =	swait.ge @!p0 [sflag:s19], $0x800  }
0xbe: {  	[sflag:s19] =	ssyncset.done @!p0 $0x0  }
0xbf: {  	s21 =	simm.s32 @!p0 $0xBA80;
	[sflag:s19] =	ssyncadd.s32 @!p0 $0xFFFFF800;
	s19 =	sadd.s32 @!p0 $0x800, s18  }
0xc0: {  	[tilespmem:s21], [sflag:$0x4] =	stream.indirect.gather @!p0 [spmem:s3], $0x10, s19, s20, $0xb8;
	[tilespmem:$0x17010] =	vst v63  }
0xc1: {  	_ =	swait.ge [sflag:s11], $0x800  }
0xc2: {  	[sflag:s11] =	ssyncset.done $0x0;
	s21 =	rddreg [dreg:$0x10]  }
0xc3: {  	[sflag:s11] =	ssyncadd.s32 $0xFFFFF800;
	s19 =	sadd.s32 s15, s21  }
0xc4: {  	[hbm4b:s19+s4] =	stream.linear.scatter [tilespmem:s23], [sflag:$0x18], $0x800, $0x38;
	[tilespmem:$0x17010] =	vst v63  }
0xc5: {  	s19 =	simm.s32 @!p0 $0x12  }
0xc6: {  	_ =	swait.ge @!p0 [sflag:s19], $0x800  }
0xc7: {  	[sflag:s19] =	ssyncset.done @!p0 $0x0  }
0xc8: {  	s21 =	simm.s32 @!p0 $0xC280;
	[sflag:s19] =	ssyncadd.s32 @!p0 $0xFFFFF800;
	s19 =	sadd.s32 @!p0 $0x880, s18  }
0xc9: {  	[tilespmem:s21], [sflag:$0x5] =	stream.indirect.gather @!p0 [spmem:s3], $0x10, s19, s20, $0xb8;
	[tilespmem:$0x17010] =	vst v63  }
0xca: {  	_ =	swait.ge [sflag:s12], $0x800  }
0xcb: {  	[sflag:s12] =	ssyncset.done $0x0;
	s21 =	rddreg [dreg:$0xf]  }
0xcc: {  	[sflag:s12] =	ssyncadd.s32 $0xFFFFF800;
	s19 =	sadd.s32 s15, s21  }
0xcd: {  	[hbm4b:s19+s4] =	stream.linear.scatter [tilespmem:s26], [sflag:$0x19], $0x800, $0x38;
	[tilespmem:$0x17010] =	vst v63  }
0xce: {  	s19 =	simm.s32 @!p0 $0x13  }
0xcf: {  	_ =	swait.ge @!p0 [sflag:s19], $0x800  }
0xd0: {  	[sflag:s19] =	ssyncset.done @!p0 $0x0  }
0xd1: {  	s18 =	sadd.s32 @!p0 $0x900, s18;
	[sflag:s19] =	ssyncadd.s32 @!p0 $0xFFFFF800;
	s19 =	simm.s32 @!p0 $0xCA80  }
0xd2: {  	[tilespmem:s19], [sflag:$0x6] =	stream.indirect.gather @!p0 [spmem:s3], $0x10, s18, s20, $0xb8;
	[tilespmem:$0x17010] =	vst v63  }
.Ltmp2:
0xd3: {  	_ = 	snop;
	(pc) =	sbr.rel @p0 .LBB2_4-.Ltmp2, $4  }
0xd4: {  	_ =	swait.ge [sflag:s13], $0x800  }
0xd5: {  	[sflag:s13] =	ssyncset.done $0x0;
	s21 =	rddreg [dreg:$0xe]  }
0xd6: {  	[sflag:s13] =	ssyncadd.s32 $0xFFFFF800;
	s18 =	sadd.s32 s15, s21  }
0xd7: {  	[hbm4b:s18+s4] =	stream.linear.scatter [tilespmem:s31], [sflag:$0x1A], $0x800, $0x38;
	[tilespmem:$0x17010] =	vst v63  }
.Ltmp3:
0xd8: {  	(pc) =	sbr.rel .LBB2_2-.Ltmp3, $4  }
0xd9: {  	_ =	swait.ge [sflag:s14], $0x800  }
0xda: {  	s17 =	sadd.s32 $0x980, s17;
	[sflag:s14] =	ssyncset.done $0x0  }
0xdb: {  	s16 =	sadd.s32 $0x1A00, s16;
	s15 =	sadd.s32 $0xD00, s15;
	[sflag:s14] =	ssyncadd.s32 $0xFFFFF800  }
0xdc: {  	[tilespmem:s0], [sflag:$0x7] =	stream.indirect.gather [spmem:s3], $0x10, s17, s24, $0xb8;
	[tilespmem:$0x17010] =	vst v63  }
.LBB2_5:
0xdd: {  	_ =	sfence.sel $0x180000  }
0xde: {  	[bflag:$0x0] =	sbarrier.arrive $0xFFFF  }
0xdf: {  	_ =	strace $0x90000047  }
0xe0: {  	s0 =	stileid.u32;
	[bflag:$0x2] =	sbarrier.arrive $0xFFFF  }
0xe1: {  	p0 =	sne.s32 s0, $0x0;
	s0 =	rddreg [dreg:$0x3]  }
0xe2: {  	s0 =	sadd.s32 @!p0 $0x100000, s0  }
0xe3: {  	[sflag:s0] =	ssyncadd.tile.s32 @!p0 $0x1;
	_ =	shalt  }
.Lfunc_end2:
_tile_overlayer_lowered:
.L_overlay_start_2:
0xe4: {  	(tag) =	ssettag $0x2  }
0xe5: {  	s0 =	rddreg [dreg:$0x0];
	s2 =	stileid.u32  }
0xe6: {  	s1 =	rddreg [dreg:$0x1];
	p0 =	sne.s32 s2, $0x0  }
0xe7: {  	s3 =	rddreg [dreg:$0x2];
	[bflag:$0x3] =	sbarrier.arrive $0xFFFF;
	s2 =	simm.s32 @!p0 $0x1C1B  }
0xe8: {  	[timem:s3], [sflag:s2] =	dma.local @!p0 [hbm:s0], s1  }
0xe9: {  	s0 =	simm.s32 @!p0 $0x1B  }
0xea: {  	_ =	swait.ge @!p0 [sflag:s0], s1  }
0xeb: {  	s1 =	ssub.s32 @!p0 $0x0, s1;
	[sflag:s0] =	ssyncset.done @!p0 $0x0  }
0xec: {  	[sflag:s0] =	ssyncadd.s32 @!p0 s1  }
0xed: {  	[bflag:$0x3] =	sbarrier.arrive $0xFFFF  }
0xee: {  	_ =	shalt  }

// kernel: sparse-core-data-format-call.cloned.1.call-start
scs
called_computation_lowered:
.L_overlay_start_0:
0x0: {  	s2 =	sld [smem:$0x3FD9]  }
0x1: {  	s3 =	sld [smem:$0x3FFE];
	_ =	sdelay $0x1  }
0x2: {  	s1 =	srdreg.scid  }
0x3: {  	s0 =	sand.u32 $0x1, s1  }
0x4: {  	s18 =	sshll.u32 s0, $0xA;
	s2 =	sadd.s32 s3, s2  }
0x5: {  	s2 =	sadd.s32 s2, s18  }
0x6: {  	[smem:$0x3FC6] =	sst s2  }
0x7: {  	_ = 	snop  }
0x8: {  	s2 =	sld [smem:$0x3FD0];
	(tm) =	ssettm $0x1  }
0x9: {  	s19 =	sld [smem:$0x3FFB];
	_ =	sdelay $0x3  }
0xa: {  	_ =	strace s19  }
0xb: {  	s3 =	sld [smem:$0x3FFC];
	_ =	sdelay $0x3  }
0xc: {  	_ =	strace s3  }
0xd: {  	s3 =	sld [smem:$0x3FFD];
	_ =	sdelay $0x3  }
0xe: {  	_ =	strace s3  }
0xf: {  	_ =	strace $0x8FFFFFFF  }
0x10: {  	s20 =	sld [smem:$0x3FDB];
	_ =	sdelay $0x1  }
0x11: {  	s4 =	simm.s32 $_scs_section_size  }
0x12: {  	s5 =	simm.s32 $_size__tile_overlayer_lowered;
	s6 =	simm.s32 $_tile_overlayer_lowered  }
0x13: {  	s23 =	simm.s32 $0x1BFF;
	s22 =	sshll.u32 s6, $0x1;
	s3 =	sadd.s32 s4, s20  }
0x14: {  	s7 =	simm.s32 $0x0;
	s21 =	sshll.u32 s5, $0x1;
	s5 =	sadd.s32 s22, s3  }
0x15: {  	[timem:s7], [sflag:s23] =	dma.local [hbm:s5], s21  }
0x16: {  	_ =	swait.ge [sflag:s23], s21  }
0x17: {  	s4 =	ssub.s32 $0x0, s21;
	[sflag:s23] =	ssyncset.done $0x0  }
0x18: {  	[sflag:s23] =	ssyncadd.s32 s4;
	_ =	sdelay $0x1  }
0x19: {  	s24 =	simm.s32 $0x1B8B  }
0x1a: {  	_ =	swait.ge [sflag:s24], $0x1  }
0x1b: {  	[sflag:s24] =	ssyncset.done $0x0  }
0x1c: {  	s26 =	simm.s32 $0x1B8E;
	s25 =	sld [smem:$0x3FFE];
	[sflag:s24] =	ssyncadd.s32 $0xFFFFFFFF  }
0x1d: {  	s27 =	simm.s32 $execute0_lowered;
	[smem:$0x3FD2] =	sst s26  }
0x1e: {  	s5 =	sshll.u32 s27, $0x1;
	_ =	strace $0x80000049;
	[dreg:$0x1] =	wrdreg $0xFFFFFFFF  }
0x1f: {  	s28 =	simm.s32 $_size_execute0_lowered;
	s3 =	sadd.s32 s3, s5;
	[dreg:$0x0] =	wrdreg $0x0  }
0x20: {  	s5 =	sshll.u32 s28, $0x1;
	[dreg:$0x2] =	wrdreg s3  }
0x21: {  	[dreg:$0x3] =	wrdreg s5  }
0x22: {  	[dreg:$0x4] =	wrdreg $0xC0  }
0x23: {  	_ =	task [dreg:s7], $0x5FFFF  }
0x24: {  	[dreg:$0x1] =	wrdreg $0xFFFFFFFF  }
0x25: {  	[dreg:$0x0] =	wrdreg $0x60  }
0x26: {  	[dreg:$0x2] =	wrdreg s25  }
0x27: {  	[dreg:$0x3] =	wrdreg s2  }
0x28: {  	[dreg:$0x4] =	wrdreg $0x9  }
0x29: {  	_ =	task.clear_ibuf [dreg:s7], $0x5FFFF;
	_ =	strace $0x90000049  }
0x2a: {  	s29 =	simm.s32 $0x9;
	_ =	strace $0x8000004B  }
0x2b: {  	_ =	swait.ge [sflag:s29], $0x1  }
0x2c: {  	[sflag:s29] =	ssyncadd.s32 $0xFFFFFFFF  }
0x2d: {  	_ =	strace $0x9000004B  }
0x2e: {  	_ =	sfence  }
0x2f: {  	s30 =	sld [smem:$0x0];
	_ =	sdelay $0x2  }
0x30: {  	s31 =	sshll.u32 s1, $0xD;
	s1 =	sshrl.u32 s1, $0x2  }
0x31: {  	s3 =	sand.u32 $0x4000, s31;
	s1 =	sadd.s32 s1, s30  }
0x32: {  	s0 =	sor.u32 s3, s0;
	s1 =	sshll.u32 s1, $0x11  }
0x33: {  	s0 =	sor.u32 s1, s0  }
0x34: {  	s0 =	sadd.s32 $0x8F2B, s0  }
0x35: {  	[sflag:s0] =	ssyncadd.remote.s32 $0x1  }
0x36: {  	_ =	sfence.sel $0xFFFF  }
0x37: {  	[dreg:$0x0] =	wrdreg $0xFFFFFFFF;
	(pc) =	sbr.abs _section_cstart, $3  }
0x38: {  	[dreg:$0x1] =	wrdreg $0xFFFFFFFF  }
0x39: {  	_ =	task.clear_ibuf [dreg:s7], $0x2FFFF;
	_ =	strace $0x9FFFFFFF  }
0x3a: {  	(tm) =	ssettm $0x7FFFFFFF  }
0x3b: {  	_ =	shalt  }
tec
execute0_lowered:
.L_overlay_start_1:
0x0: {  	(tag) =	ssettag $0x1  }
0x1: {  	s4 =	rddreg [dreg:$0x0]  }
0x2: {  	s2 =	rddreg [dreg:$0x1]  }
0x3: {  	s0 =	stileid.u32;
	s1 =	rddreg [dreg:$0x2];
	_ =	strace $0x8000004A  }
0x4: {  	s5 =	srdreg.scid;
	s10 =	simm.s32 $0x2;
	s17 =	simm.s32 $0x0  }
0x5: {  	s18 =	simm.s32 $0x0;
	s19 =	simm.s32 $0x0;
	s11 =	simm.s32 $0x0  }
0x6: {  	s12 =	simm.s32 $0x0;
	s13 =	simm.s32 $0x0;
	s3 =	sshll.u32 s0, $0x7  }
0x7: {  	s14 =	simm.s32 $0x0;
	s5 =	sshll.u32 s5, $0x4;
	s3 =	sand.u32 $0x380, s3  }
0x8: {  	s16 =	simm.s32 $0x0;
	s5 =	sand.u32 $0x10, s5;
	s6 =	ssub.s32 $0x400, s3  }
0x9: {  	s4 =	sadd.s32 $0xA00, s4;
	s8 =	sor.u32 s0, s5;
	s7 =	sand.u32 $0x380, s6  }
0xa: {  	s5 =	simm.s32 $0x1;
	p0 =	sne.s32 s7, $0x0;
	s7 =	simm.s32 $0x1  }
.Ltmp0:
0xb: {  	s6 =	sshrl.u32 s6, $0xA;
	s7 =	simm.s32 @!p0 $0x0;
	(pc) =	sbr.rel .LBB1_1-.Ltmp0, $4  }
0xc: {  	s15 =	smov.u32 s3;
	s9 =	sshll.u32 s8, $0x4;
	s6 =	sadd.s32 s7, s6  }
0xd: {  	[sflag:s5] =	ssyncpa.u1 $0x0;
	s8 =	sshll.u32 s8, $0x7;
	s6 =	smul.u32 $0x32, s6  }
0xe: {  	[sflag:s10] =	ssyncpa.u1 $0x0;
	s8 =	sand.u32 $0xC00, s8;
	s10 =	simm.s32 $0x2000  }
0xf: {  	p0 =	por $0x0, $0x0;
	s7 =	sand.u32 $0x180, s9;
	s9 =	sor.u32 $0x1, s6  }
.LBB1_4:
0x10: {  	s24 =	sshra.s32 s24, $0x2;
	s25 =	sshrl.u32 s13, $0x7;
	p1 =	sgt.s32 s13, $0x380  }
0x11: {  	s26 =	sshra.s32 s13, $0x1F;
	s28 =	smov.u32 s12;
	s31 =	sshra.s32 s12, $0x1F  }
0x12: {  	s23 =	sadd.s32 s24, s23;
	s30 =	sadd.s32 s25, s11;
	s25 =	smov.u32 s13  }
0x13: {  	v5 =	vld [tilespmem:s21+$0xFFFFFFD0];
	[tilespmem:s22+$0x2040 ss:$0x81] =	vst.msk $0xffff, v4;
	s26 =	sand.u32 s26, s13;
	s24 =	sand.u32 $0x3FFFFF, s30;
	s25 =	simm.s32 @!p1 $0x380  }
0x14: {  	v58 =	vld [tilespmem:s21+$0xFFFFFFE0];
	[tilespmem:s22+$0x2850 ss:$0x81] =	vst.msk $0xffff, v3;
	p1 =	sgt.s32 s12, $0x31;
	s27 =	smulhi.u32 $0x9D89D9, s24;
	s25 =	ssub.s32 s25, s26  }
0x15: {  	v59 =	vld [tilespmem:s21+$0xFFFFFFF0];
	[tilespmem:s22+$0x3060 ss:$0x81] =	vst.msk $0xffff, v2;
	s28 =	simm.s32 @!p1 $0x31;
	s26 =	sand.u32 s31, s12;
	p1 =	sgt.s32 s11, $0x120  }
0x16: {  	v60 =	vld [tilespmem:s21+$0x0];
	[tilespmem:s22+$0x0 ss:$0x81] =	vst.msk $0xffff, v1;
	s29 =	ssub.s32 s28, s26;
	s26 =	smov.u32 s11;
	s30 =	sadd.s32 $0xFFFFFC80, s25  }
0x17: {  	v61 =	vld [tilespmem:s21+$0x10];
	[tilespmem:s23+$0x3870 ss:$0x81] =	vst.msk $0xffff, v0;
	s25 =	ssub.s32 $0x400, s25;
	s26 =	simm.s32 @!p1 $0x120;
	p1 =	sgt.s32 s30, $0x7F  }
0x18: {  	v62 =	vld [tilespmem:s21+$0x20];
	s27 =	smul.u32 $0x1A0, s27;
	[tilespmem:s23+$0x810 ss:$0x81] =	vst.msk $0xffff, v5;
	s26 =	ssub.s32 $0x1A0, s26;
	s25 =	simm.s32 @p1 $0x0  }
0x19: {  	v63 =	vld [tilespmem:s21+$0xFFFFFFC0];
	s28 =	sshrl.u32 s13, $0x3;
	s31 =	sadd.s32 $0xFFFFFFCF, s29;
	[tilespmem:s23+$0x1020 ss:$0x81] =	vst.msk $0xffff, v58;
	s25 =	smul.u32 s26, s25  }
0x1a: {  	s21 =	ssub.s32 $0x32, s29;
	[tilespmem:s23+$0x1830 ss:$0x81] =	vst.msk $0xffff, v59;
	p1 =	sgt.s32 s31, $0x0;
	s26 =	smul.u32 $0xD000, s12  }
0x1b: {  	[tilespmem:s23+$0x2040 ss:$0x81] =	vst.msk $0xffff, v60;
	s22 =	sand.u32 $0xF, s28;
	s29 =	sand.u32 $0x7, s13;
	s21 =	simm.s32 @p1 $0x0  }
0x1c: {  	[tilespmem:s23+$0x2850 ss:$0x81] =	vst.msk $0xffff, v61;
	s24 =	ssub.s32 s24, s27;
	s21 =	smul.u32 s21, s25;
	s25 =	sadd.s32 s2, s26  }
0x1d: {  	[tilespmem:s23+$0x3060 ss:$0x81] =	vst.msk $0xffff, v62;
	s30 =	sshll.u32 s29, $0x12;
	s24 =	sshll.u32 s24, $0x7;
	s22 =	sadd.s32 s22, s25  }
0x1e: {  	[tilespmem:s23+$0x0 ss:$0x81] =	vst.msk $0xffff, v63;
	s31 =	sor.u32 $0x400, s30;
	s21 =	sand.u32 $0x3FFFFFFF, s21;
	s22 =	sadd.s32 s24, s22  }
0x1f: {  	[hbm4b:s22+s31] =	stream.strided.scatter [tilespmem:s20], [sflag:$0x2], s21, s10, s31, $0x20;
	[tilespmem:$0x10100] =	vst v63  }
.LBB1_5:
0x20: {  	p1 =	slt.u32 s16, $0x2;
	s20 =	smov.u32 s18  }
0x21: {  	s21 =	smov.u32 s19;
	p2 =	sgt.s32 @!p1 s18, $0x31;
	p3 =	sgt.s32 @!p1 s19, $0x380  }
0x22: {  	s22 =	sshra.s32 @!p1 s19, $0x1F;
	p2 =	por !p2, p1;
	p3 =	por !p3, p1  }
0x23: {  	s19 =	sand.u32 @!p1 s22, s19;
	s20 =	simm.s32 @p2 $0x31;
	s21 =	simm.s32 @p3 $0x380  }
0x24: {  	p2 =	sgt.s32 @!p1 s17, $0x120;
	s19 =	ssub.s32 @!p1 s21, s19;
	s21 =	sshra.s32 @!p1 s18, $0x1F  }
0x25: {  	p2 =	por !p2, p1;
	s18 =	sand.u32 @!p1 s21, s18;
	s21 =	sadd.s32 @!p1 $0xFFFFFC80, s19  }
0x26: {  	s17 =	simm.s32 @p2 $0x120;
	s18 =	ssub.s32 @!p1 s20, s18;
	p2 =	sgt.s32 @!p1 s21, $0x7F  }
0x27: {  	s19 =	ssub.s32 @!p1 $0x400, s19;
	s20 =	sadd.s32 @!p1 $0xFFFFFFCF, s18;
	p2 =	por !p2, p1  }
0x28: {  	s17 =	ssub.s32 @!p1 $0x1A0, s17;
	s19 =	simm.s32 @!p2 $0x0;
	p2 =	sgt.s32 @!p1 s20, $0x0  }
0x29: {  	s18 =	ssub.s32 @!p1 $0x32, s18;
	p2 =	por !p2, p1;
	s17 =	smul.u32 @!p1 s17, s19  }
0x2a: {  	s22 =	smov.u32 s15;
	s20 =	sadd.s32 $0x1, s14;
	s18 =	simm.s32 @!p2 $0x0  }
0x2b: {  	p2 =	sgt.s32 s20, $0x31;
	s17 =	smul.u32 @!p1 s18, s17;
	s18 =	sadd.s32 $0x400, s15  }
0x2c: {  	s24 =	sadd.s32 $0x1, s16;
	s22 =	smov.u32 @p2 s18  }
0x2d: {  	p0 =	por !p0, !p0;
	s20 =	simm.s32 @p2 $0x0;
	p2 =	sgt.s32 s22, $0x3FF  }
0x2e: {  	s21 =	simm.s32 @!p1 $0x2;
	s22 =	smov.u32 @p2 s3;
	p2 =	sne.s32 s16, s9  }
.Ltmp1:
0x2f: {  	s19 =	smov.u32 s13;
	s13 =	smov.u32 s15;
	(pc) =	sbr.rel @!p2 .LBB1_6-.Ltmp1, $4  }
0x30: {  	s18 =	smov.u32 s12;
	s12 =	smov.u32 s14;
	s17 =	sand.u32 @!p1 $0x3FFFFFFF, s17  }
0x31: {  	s14 =	smov.u32 s20;
	_ =	swait.ge @!p1 [sflag:s21], s17;
	s23 =	ssub.s32 @!p1 $0x0, s17  }
0x32: {  	s17 =	smov.u32 s11;
	s11 =	smov.u32 s7;
	[sflag:s21] =	ssyncset.done @!p1 $0x0  }
0x33: {  	s16 =	smov.u32 s24;
	s15 =	smov.u32 s22;
	[sflag:s21] =	ssyncadd.s32 @!p1 s23  }
.LBB1_1:
0x34: {  	p1 =	sge.u32 s16, s6  }
0x35: {  	s20 =	sshll.u32 @!p1 s14, $0x9  }
0x36: {  	s21 =	sshll.u32 @!p1 s14, $0x7;
	s20 =	sand.u32 @!p1 $0xFFFFF000, s20  }
0x37: {  	s21 =	sand.u32 @!p1 $0x200, s21;
	s20 =	sor.u32 @!p1 s8, s20  }
0x38: {  	s20 =	sor.u32 @!p1 s21, s20  }
0x39: {  	s20 =	sshrl.u32 @!p1 s20, $0x9  }
0x3a: {  	s21 =	smulhi.u32 @!p1 $0x4924925, s20;
	_ =	sdelay $0x1  }
0x3b: {  	s21 =	smul.u32 @!p1 $0x38, s21  }
0x3c: {  	s31 =	sadd.s32 $0xFFFFFFFF, s16;
	s22 =	smul.u32 @!p1 $0xE00, s15  }
0x3d: {  	s23 =	sxor.u32 @!p1 $0xFFFFFFFF, s16;
	s20 =	ssub.s32 @!p1 s20, s21;
	s21 =	sshll.u32 @!p1 s14, $0x4  }
0x3e: {  	s23 =	sshll.u32 @!p1 s23, $0xE;
	s22 =	sadd.s32 @!p1 s4, s22;
	s21 =	sand.u32 @!p1 $0x30, s21  }
0x3f: {  	s23 =	sand.u32 @!p1 $0x4000, s23;
	s20 =	sshll.u32 @!p1 s20, $0x6;
	s21 =	sadd.s32 @!p1 s21, s22  }
0x40: {  	s22 =	simm.s32 @!p1 $0x7000;
	s20 =	sadd.s32 @!p1 s20, s21;
	s21 =	simm.s32 @!p1 $0x80  }
0x41: {  	[tilespmem:s23], [sflag:$0x1] =	stream.strided.gather @!p1 [hbm4b:s20+s21], $0x4000, s22, s21, $0x38;
	[tilespmem:$0x10100] =	vst v63  }
0x42: {  	p1 =	sge.u32 s31, s6  }
.Ltmp2:
0x43: {  	_ = 	snop;
	(pc) =	sbr.rel @p1 .LBB1_5-.Ltmp2, $1  }
0x44: {  	_ =	sdelay $0x3  }
0x45: {  	s20 =	simm.s32 $0x1  }
0x46: {  	_ =	swait.ge [sflag:s5], $0x4000;
	s20 =	simm.s32 @!p0 $0x0  }
0x47: {  	[sflag:s5] =	ssyncset.done $0x0;
	s21 =	sshll.u32 s20, $0xE  }
0x48: {  	[sflag:s5] =	ssyncadd.s32 $0xFFFFC000;
	s21 =	sor.u32 $0x40, s21  }
0x49: {  	s20 =	smul.u32 $0x10200, s20;
	v0 =	vld [tilespmem:s21+$0x30]  }
0x4a: {  	v1 =	vld [tilespmem:s21+$0xFFFFFFD0]  }
0x4b: {  	s20 =	sshrl.u32 s20, $0x2;
	v5 =	vld [tilespmem:s21+$0xFFFFFFE0]  }
0x4c: {  	v6 =	vld [tilespmem:s21+$0xFFFFFFF0];
	s23 =	sor.u32 $0x8000, s20  }
0x4d: {  	s31 =	sand.u32 $0x1, s16;
	v4 =	vld [tilespmem:s21+$0x0];
	s22 =	sadd.s32 $0x0, s23  }
0x4e: {  	v3 =	vld [tilespmem:s21+$0x10];
	s20 =	smul.u32 $0x10200, s31;
	[tilespmem:s22+$0x3870 ss:$0x81] =	vst.msk $0xffff, v0  }
0x4f: {  	v2 =	vld [tilespmem:s21+$0x20];
	[tilespmem:s22+$0x810 ss:$0x81] =	vst.msk $0xffff, v1  }
0x50: {  	s20 =	sshrl.u32 s20, $0x2;
	v1 =	vld [tilespmem:s21+$0xFFFFFFC0];
	[tilespmem:s22+$0x1020 ss:$0x81] =	vst.msk $0xffff, v5;
	s21 =	sadd.s32 $0x80, s21  }
0x51: {  	s24 =	simm.s32 $0x4;
	s25 =	simm.s32 $0x8;
	s20 =	sor.u32 $0x8000, s20;
	[tilespmem:s22+$0x1830 ss:$0x81] =	vst.msk $0xffff, v6;
	v0 =	vld [tilespmem:s21+$0x30]  }
.LBB1_3:
0x52: {  	p1 =	sne.s32 s25, $0x1FC;
	v5 =	vld [tilespmem:s21+$0xFFFFFFD0];
	[tilespmem:s22+$0x2040 ss:$0x81] =	vst.msk $0xffff, v4  }
0x53: {  	v6 =	vld [tilespmem:s21+$0xFFFFFFE0];
	[tilespmem:s22+$0x2850 ss:$0x81] =	vst.msk $0xffff, v3  }
0x54: {  	s26 =	sshra.s32 s24, $0x2;
	s24 =	smov.u32 s25;
	v7 =	vld [tilespmem:s21+$0xFFFFFFF0];
	[tilespmem:s22+$0x3060 ss:$0x81] =	vst.msk $0xffff, v2  }
.Ltmp3:
0x55: {  	v4 =	vld [tilespmem:s21+$0x0];
	[tilespmem:s22+$0x0 ss:$0x81] =	vst.msk $0xffff, v1;
	s22 =	sadd.s32 s26, s23;
	(pc) =	sbr.rel @p1 .LBB1_3-.Ltmp3, $4  }
0x56: {  	v3 =	vld [tilespmem:s21+$0x10];
	[tilespmem:s22+$0x3870 ss:$0x81] =	vst.msk $0xffff, v0  }
0x57: {  	[tilespmem:s22+$0x810 ss:$0x81] =	vst.msk $0xffff, v5;
	v2 =	vld [tilespmem:s21+$0x20]  }
0x58: {  	v1 =	vld [tilespmem:s21+$0xFFFFFFC0];
	[tilespmem:s22+$0x1020 ss:$0x81] =	vst.msk $0xffff, v6;
	s21 =	sadd.s32 $0x80, s21  }
0x59: {  	s25 =	sadd.s32 $0x4, s25;
	v0 =	vld [tilespmem:s21+$0x30];
	[tilespmem:s22+$0x1830 ss:$0x81] =	vst.msk $0xffff, v7  }
.Ltmp4:
0x5a: {  	_ = 	snop;
	(pc) =	sbr.rel .LBB1_4-.Ltmp4, $1  }
0x5b: {  	_ =	sdelay $0x3  }
.LBB1_6:
0x5c: {  	_ =	sfence.sel $0x180000  }
0x5d: {  	s2 =	simm.s32 $0x1;
	[bflag:$0x0] =	sbarrier.arrive $0xFFFF  }
0x5e: {  	s31 =	simm.s32 $0x2;
	[sflag:s2] =	ssyncpa.u1 $0x1  }
0x5f: {  	[sflag:s31] =	ssyncpa.u1 $0x1  }
0x60: {  	p0 =	sne.s32 s0, $0x0;
	_ =	strace $0x9000004A  }
0x61: {  	s0 =	sadd.s32 @!p0 $0x100000, s1;
	[bflag:$0x2] =	sbarrier.arrive $0xFFFF  }
0x62: {  	[sflag:s0] =	ssyncadd.tile.s32 @!p0 $0x1;
	_ =	shalt  }
.Lfunc_end1:
_tile_overlayer_lowered:
.L_overlay_start_2:
0x63: {  	(tag) =	ssettag $0x2  }
0x64: {  	s0 =	rddreg [dreg:$0x0];
	s2 =	stileid.u32  }
0x65: {  	s1 =	rddreg [dreg:$0x1];
	p0 =	sne.s32 s2, $0x0  }
0x66: {  	s3 =	rddreg [dreg:$0x2];
	[bflag:$0x3] =	sbarrier.arrive $0xFFFF;
	s2 =	simm.s32 @!p0 $0x1C01  }
0x67: {  	[timem:s3], [sflag:s2] =	dma.local @!p0 [hbm:s0], s1  }
0x68: {  	s0 =	simm.s32 @!p0 $0x1  }
0x69: {  	_ =	swait.ge @!p0 [sflag:s0], s1  }
0x6a: {  	s1 =	ssub.s32 @!p0 $0x0, s1;
	[sflag:s0] =	ssyncset.done @!p0 $0x0  }
0x6b: {  	[sflag:s0] =	ssyncadd.s32 @!p0 s1  }
0x6c: {  	[bflag:$0x3] =	sbarrier.arrive $0xFFFF  }
0x6d: {  	_ =	shalt  }

</sc_bundles>
